<compile_context>
chip_gen: v7x
topology: tpu7x:2x2x1
jax: 0.10.2.dev20260603
libtpu: 0.0.44.dev20260713+nightly
codegen_flags: <defaults>
</compile_context>

<pallas_src>
import jax
import jax.numpy as jnp
from jax import lax
from jax.experimental import pallas as pl
from jax.experimental.pallas import tpu as pltpu
from jax.experimental.pallas import tpu_sc as plsc

N_NODES = 10000
D_FEAT = 256
D_HALF = 128
N_EDGES = 160000

NC = 2
NS = 16
CHUNK = 128
IBLK = 8
NBLK = 10
CPT = IBLK * NBLK
E_PAD = NS * CPT * CHUNK
AGG_ROWS = 10240
HIST_ROWS = 10016
RPT = AGG_ROWS // NS


def _sc_body(x2_hbm, row_hbm, col_hbm, zeros_hbm,
             agg2_hbm, deg_part_hbm,
             agg_sh, dst_blk, col_blk, gbuf, hist,
             sem_g, sem_s, sem_id, sem_ic):
    c = lax.axis_index("c")
    s = lax.axis_index("s")

    pltpu.sync_copy(zeros_hbm, agg_sh.at[pl.ds(s * RPT, RPT)])

    def _hzero(j, _):
        hist[pl.ds(j * 16, 16)] = jnp.zeros((16,), jnp.float32)
        return 0
    lax.fori_loop(0, HIST_ROWS // 16, _hzero, 0)

    pltpu.async_copy(row_hbm.at[s, pl.ds(0, IBLK)], dst_blk.at[0], sem_id).wait()
    pltpu.async_copy(col_hbm.at[s, pl.ds(0, IBLK)], col_blk.at[0], sem_ic).wait()

    plsc.subcore_barrier()

    ones16 = jnp.ones((16,), jnp.float32)
    pltpu.async_copy(x2_hbm.at[c].at[col_blk.at[0, 0]], gbuf.at[0], sem_g)

    def chunk_body(j, _):
        blk = j >> 3
        k = j & 7
        p = blk & 1
        q = j & 1
        j1 = j + 1
        p1 = (j1 >> 3) & 1
        k1 = j1 & 7

        @pl.when((k == 0) & (blk + 1 < NBLK))
        def _():
            off = (blk + 1) * IBLK
            pltpu.async_copy(row_hbm.at[s, pl.ds(off, IBLK)],
                             dst_blk.at[1 - p], sem_id)
            pltpu.async_copy(col_hbm.at[s, pl.ds(off, IBLK)],
                             col_blk.at[1 - p], sem_ic)

        @pl.when((k == 7) & (j1 < CPT))
        def _():
            pltpu.make_async_copy(row_hbm.at[s, pl.ds(0, IBLK)],
                                  dst_blk.at[1 - p], sem_id).wait()
            pltpu.make_async_copy(col_hbm.at[s, pl.ds(0, IBLK)],
                                  col_blk.at[1 - p], sem_ic).wait()

        pltpu.make_async_copy(x2_hbm.at[c, pl.ds(0, CHUNK)],
                              gbuf.at[q], sem_g).wait()

        @pl.when(j1 < CPT)
        def _():
            pltpu.async_copy(x2_hbm.at[c].at[col_blk.at[p1, k1]],
                             gbuf.at[1 - q], sem_g)

        scat = pltpu.async_copy(gbuf.at[q], agg_sh.at[dst_blk.at[p, k]],
                                sem_s, add=True)

        @pl.when(((c == 0) & (j < CPT // 2)) | ((c == 1) & (j >= CPT // 2)))
        def _():
            def _h(i, _):
                d = dst_blk[p, k, pl.ds(i * 16, 16)]
                plsc.addupdate_scatter(hist, [d], ones16)
                return 0
            lax.fori_loop(0, CHUNK // 16, _h, 0)

        scat.wait()
        return 0

    lax.fori_loop(0, CPT, chunk_body, 0)

    pltpu.sync_copy(hist, deg_part_hbm.at[c * NS + s])

    plsc.subcore_barrier()

    osl = pl.ds(s * RPT, RPT)
    pltpu.sync_copy(agg_sh.at[osl], agg2_hbm.at[c, osl])


def _sc_aggregate(x2, row_r, col_r, zeros_rows):
    mesh = plsc.VectorSubcoreMesh(core_axis_name="c", subcore_axis_name="s",
                                  num_cores=NC, num_subcores=NS)
    f32 = jnp.float32
    return pl.kernel(
        _sc_body,
        out_type=(
            jax.ShapeDtypeStruct((NC, AGG_ROWS, D_HALF), f32),
            jax.ShapeDtypeStruct((NC * NS, HIST_ROWS), f32),
        ),
        mesh=mesh,
        scratch_types=(
            pltpu.VMEM_SHARED((AGG_ROWS, D_HALF), f32),
            pltpu.VMEM((2, IBLK, CHUNK), jnp.int32),
            pltpu.VMEM((2, IBLK, CHUNK), jnp.int32),
            pltpu.VMEM((2, CHUNK, D_HALF), f32),
            pltpu.VMEM((HIST_ROWS,), f32),
            pltpu.SemaphoreType.DMA,
            pltpu.SemaphoreType.DMA,
            pltpu.SemaphoreType.DMA,
            pltpu.SemaphoreType.DMA,
        ),
        name="graphconv_sc_aggregate",
        compiler_params=pltpu.CompilerParams(needs_layout_passes=False),
    )(x2, row_r, col_r, zeros_rows)


def _mm_body(agg_a_ref, agg_b_ref, deg_ref, wat_ref, wbt_ref, b_ref, out_ref):
    deg = jnp.maximum(jnp.sum(deg_ref[...], axis=1, keepdims=True), 1.0)
    acc = jnp.dot(agg_a_ref[0], wat_ref[...],
                  preferred_element_type=jnp.float32)
    acc += jnp.dot(agg_b_ref[0], wbt_ref[...],
                   preferred_element_type=jnp.float32)
    out_ref[...] = acc / deg + b_ref[...]


def _tc_linear(agg2, deg_t, wat, wbt, b2d):
    blk = 2048
    grid = (AGG_ROWS // blk,)
    return pl.pallas_call(
        _mm_body,
        grid=grid,
        in_specs=[
            pl.BlockSpec((1, blk, D_HALF), lambda i: (0, i, 0)),
            pl.BlockSpec((1, blk, D_HALF), lambda i: (1, i, 0)),
            pl.BlockSpec((blk, NC * NS), lambda i: (i, 0)),
            pl.BlockSpec((D_HALF, D_FEAT), lambda i: (0, 0)),
            pl.BlockSpec((D_HALF, D_FEAT), lambda i: (0, 0)),
            pl.BlockSpec((1, D_FEAT), lambda i: (0, 0)),
        ],
        out_specs=pl.BlockSpec((blk, D_FEAT), lambda i: (i, 0)),
        out_shape=jax.ShapeDtypeStruct((N_NODES, D_FEAT), jnp.float32),
        name="graphconv_tc_linear",
    )(agg2, agg2, deg_t, wat, wbt, b2d)


def kernel(x, edge_index, W, b):
    ei = edge_index.astype(jnp.int32)
    row = ei[0]
    col = ei[1]
    pad = E_PAD - N_EDGES
    row_p = jnp.concatenate([row, jnp.full((pad,), N_NODES, jnp.int32)])
    col_p = jnp.concatenate([col, jnp.zeros((pad,), jnp.int32)])
    row_r = row_p.reshape(NS, CPT, CHUNK)

    col_r = col_p.reshape(NS, CPT, CHUNK)
    x2 = jnp.stack([x[:, :D_HALF], x[:, D_HALF:]])
    zeros_rows = jnp.zeros((RPT, D_HALF), jnp.float32)
    agg2, deg_part = _sc_aggregate(x2, row_r, col_r, zeros_rows)

    deg_t = deg_part.T
    wat = W[:, :D_HALF].T
    wbt = W[:, D_HALF:].T
    b2d = b.reshape(1, D_FEAT)
    return _tc_linear(agg2, deg_t, wat, wbt, b2d)

# --- scband reference (transcript-rebuilt; emitter-appended) ---
"""Pipeline reference for scband-graph-conv-layer-2482491097825 (READ-ONLY COPY).

The authoritative reference and input builder live on the scoring server;
editing this copy changes nothing except your own understanding.
"""

import jax, jax.numpy as jnp
import numpy as np


def setup_inputs(seed: int = 0) -> dict:
    key = jax.random.key(seed)
    k1, k2, k3, k4 = jax.random.split(key, 4)
    n_nodes = 10000
    d_feat = 256
    n_edges = 160000
    x = jax.random.normal(k1, (n_nodes, d_feat), dtype=jnp.float32)
    edge_index = jax.random.randint(k2, (2, n_edges), 0, n_nodes, dtype=jnp.int64)
    # nn.Linear(in_channels=256, out_channels=256): weight [out, in], bias [out]
    bound = 1.0 / np.sqrt(d_feat)
    W = jax.random.uniform(k3, (d_feat, d_feat), dtype=jnp.float32, minval=-bound, maxval=bound)
    b = jax.random.uniform(k4, (d_feat,), dtype=jnp.float32, minval=-bound, maxval=bound)
    return {"x": x, "edge_index": edge_index, "W": W, "b": b}


def reference(x, edge_index, W, b):
    # x: (num_nodes, in_channels); edge_index: (2, E) rows [target, source]
    num_nodes = x.shape[0]
    row = edge_index[0]
    col = edge_index[1]
    # agg = index_add(agg, row, x[col])  -> scatter-add gather
    agg = jnp.zeros_like(x).at[row].add(jnp.take(x, col, axis=0))
    # degree = index_add(zeros, row, ones), clamp(min=1)
    ones = jnp.ones((row.shape[0],), dtype=x.dtype)
    degree = jnp.zeros((num_nodes,), dtype=x.dtype).at[row].add(ones)
    degree = jnp.clip(degree, 1.0, None)[:, None]
    agg = agg / degree
    # Linear: agg @ W.T + b
    out = agg @ W.T + b
    return out

if __name__ == "__main__":
    import jax
    _d = setup_inputs()
    print(jax.jit(kernel)(*tuple(_d.values())))

</pallas_src>

<mosaic_0001>
#map = affine_map<(d0, d1) -> (0, 0, 0)>
#map1 = affine_map<(d0, d1) -> (0, 0)>
module attributes {stable_mosaic.version = 14 : i64} {
  func.func @graphconv_sc_aggregate(%arg0: i32, %arg1: i32, %arg2: memref<2x10000x128xf32, #tpu.memory_space<hbm>>, %arg3: memref<16x80x128xi32, #tpu.memory_space<hbm>>, %arg4: memref<16x80x128xi32, #tpu.memory_space<hbm>>, %arg5: memref<640x128xf32, #tpu.memory_space<hbm>>, %arg6: memref<2x10240x128xf32, #tpu.memory_space<hbm>>, %arg7: memref<32x10016xf32, #tpu.memory_space<hbm>>, %arg8: memref<10240x128xf32, #tpu.memory_space<vmem_shared>>, %arg9: memref<2x8x128xi32, #tpu.memory_space<vmem>>, %arg10: memref<2x8x128xi32, #tpu.memory_space<vmem>>, %arg11: memref<2x128x128xf32, #tpu.memory_space<vmem>>, %arg12: memref<10016xf32, #tpu.memory_space<vmem>>, %arg13: memref<!tpu.dma_semaphore, #tpu.memory_space<semaphore_mem>>, %arg14: memref<!tpu.dma_semaphore, #tpu.memory_space<semaphore_mem>>, %arg15: memref<!tpu.dma_semaphore, #tpu.memory_space<semaphore_mem>>, %arg16: memref<!tpu.dma_semaphore, #tpu.memory_space<semaphore_mem>>) attributes {dimension_semantics = [#tpu.dimension_semantics<core_parallel>, #tpu.dimension_semantics<subcore_parallel>], iteration_bounds = array<i64: 2, 16>, scalar_prefetch = 0 : i64, scratch_operands = 9 : i64, tpu.core_type = #tpu.core_type<sc_vector_subcore>, window_params = [{transform_indices = #map}, {transform_indices = #map}, {transform_indices = #map}, {transform_indices = #map1}, {transform_indices = #map}, {transform_indices = #map1}]} {
    %mul3A = arith.constant 640 : i32
    %mul3A_0 = arith.muli %arg1, %mul3A : i32
    "tpu.region"() ({
      %run_scoped3A = tpu.sem_alloc : memref<!tpu.dma_semaphore, #tpu.memory_space<semaphore_mem>>
      %dma_start3A_103 = arith.constant 0 : i32
      %dma_start3A_104 = tpu.memref_slice %arg8[%mul3A_0, %dma_start3A_103] : memref<10240x128xf32, #tpu.memory_space<vmem_shared>> -> memref<640x128xf32, #tpu.memory_space<vmem_shared>>
      tpu.enqueue_dma source(%arg5 : memref<640x128xf32, #tpu.memory_space<hbm>>) target(%dma_start3A_104 : memref<640x128xf32, #tpu.memory_space<vmem_shared>>) target_semaphore(%run_scoped3A : memref<!tpu.dma_semaphore, #tpu.memory_space<semaphore_mem>>)
      %dma_wait3A_105 = arith.constant 0 : i32
      %dma_wait3A_106 = tpu.memref_slice %arg8[%mul3A_0, %dma_wait3A_105] : memref<10240x128xf32, #tpu.memory_space<vmem_shared>> -> memref<640x128xf32, #tpu.memory_space<vmem_shared>>
      tpu.wait_dma2 semaphore(%run_scoped3A : memref<!tpu.dma_semaphore, #tpu.memory_space<semaphore_mem>>) src(%arg5 : memref<640x128xf32, #tpu.memory_space<hbm>>) dst(%dma_wait3A_106 : memref<640x128xf32, #tpu.memory_space<vmem_shared>>)
      tpu.yield
    }) : () -> ()
    %scan3A = arith.constant 0 : i32
    %scan3A_1 = arith.constant 0 : i32
    %scan3A_2 = arith.constant 626 : i32
    %scan3A_3 = arith.addi %scan3A_1, %scan3A_2 : i32
    %scan3A_4 = arith.constant 1 : i32
    %scan3A_5 = scf.for %scan3A_103 = %scan3A_1 to %scan3A_3 step %scan3A_4 iter_args(%scan3A_104 = %scan3A) -> (i32)  : i32 {
      %broadcast_in_dim3A_105 = arith.constant 0.000000e+00 : f32
      %broadcast_in_dim3A_106 = vector.broadcast %broadcast_in_dim3A_105 : f32 to vector<16xf32>
      %mul3A_107 = arith.constant 16 : i32
      %mul3A_108 = arith.muli %scan3A_103, %mul3A_107 : i32
      %swap3A = arith.index_cast %mul3A_108 : i32 to index
      %swap3A_109 = tpu.vector_load %arg12[%swap3A] {strides = array<i32>} : memref<10016xf32, #tpu.memory_space<vmem>>, vector<16xf32>,
      tpu.vector_store %arg12[%swap3A], %broadcast_in_dim3A_106 {strides = array<i32>} : memref<10016xf32, #tpu.memory_space<vmem>>, vector<16xf32>,
      %scan3A_110 = arith.constant 0 : i32
      scf.yield %scan3A_110 : i32
    }
    %scan3A_6 = arith.constant 626 : i32
    %dma_start3A = arith.constant 0 : i32
    %dma_start3A_7 = arith.constant 0 : i32
    %dma_start3A_8 = arith.constant 0 : i32
    %dma_start3A_9 = tpu.memref_slice %arg9[%dma_start3A, %dma_start3A_7, %dma_start3A_8] : memref<2x8x128xi32, #tpu.memory_space<vmem>> -> memref<1x8x128xi32, #tpu.memory_space<vmem>>
    %dma_start3A_10 = tpu.memref_squeeze %dma_start3A_9 : memref<1x8x128xi32, #tpu.memory_space<vmem>> -> memref<8x128xi32, #tpu.memory_space<vmem>>
    %dma_start3A_11 = arith.constant 0 : i32
    %dma_start3A_12 = arith.constant 0 : i32
    %dma_start3A_13 = tpu.memref_slice %arg3[%arg1, %dma_start3A_11, %dma_start3A_12] : memref<16x80x128xi32, #tpu.memory_space<hbm>> -> memref<1x8x128xi32, #tpu.memory_space<hbm>>
    %dma_start3A_14 = tpu.memref_squeeze %dma_start3A_13 : memref<1x8x128xi32, #tpu.memory_space<hbm>> -> memref<8x128xi32, #tpu.memory_space<hbm>>
    %dma_start3A_15 = arith.constant 0 : i32
    %dma_start3A_16 = arith.constant 0 : i32
    %dma_start3A_17 = tpu.memref_slice %arg9[%dma_start3A, %dma_start3A_15, %dma_start3A_16] : memref<2x8x128xi32, #tpu.memory_space<vmem>> -> memref<1x8x128xi32, #tpu.memory_space<vmem>>
    %dma_start3A_18 = tpu.memref_squeeze %dma_start3A_17 : memref<1x8x128xi32, #tpu.memory_space<vmem>> -> memref<8x128xi32, #tpu.memory_space<vmem>>
    %dma_start3A_19 = arith.constant 0 : i32
    %dma_start3A_20 = arith.constant 0 : i32
    %dma_start3A_21 = tpu.memref_slice %arg3[%arg1, %dma_start3A_19, %dma_start3A_20] : memref<16x80x128xi32, #tpu.memory_space<hbm>> -> memref<1x8x128xi32, #tpu.memory_space<hbm>>
    %dma_start3A_22 = tpu.memref_squeeze %dma_start3A_21 : memref<1x8x128xi32, #tpu.memory_space<hbm>> -> memref<8x128xi32, #tpu.memory_space<hbm>>
    tpu.enqueue_dma source(%dma_start3A_22 : memref<8x128xi32, #tpu.memory_space<hbm>>) target(%dma_start3A_18 : memref<8x128xi32, #tpu.memory_space<vmem>>) target_semaphore(%arg15 : memref<!tpu.dma_semaphore, #tpu.memory_space<semaphore_mem>>)
    %dma_wait3A = arith.constant 0 : i32
    %dma_wait3A_23 = arith.constant 0 : i32
    %dma_wait3A_24 = arith.constant 0 : i32
    %dma_wait3A_25 = tpu.memref_slice %arg9[%dma_wait3A, %dma_wait3A_23, %dma_wait3A_24] : memref<2x8x128xi32, #tpu.memory_space<vmem>> -> memref<1x8x128xi32, #tpu.memory_space<vmem>>
    %dma_wait3A_26 = tpu.memref_squeeze %dma_wait3A_25 : memref<1x8x128xi32, #tpu.memory_space<vmem>> -> memref<8x128xi32, #tpu.memory_space<vmem>>
    %dma_wait3A_27 = arith.constant 0 : i32
    %dma_wait3A_28 = arith.constant 0 : i32
    %dma_wait3A_29 = tpu.memref_slice %arg3[%arg1, %dma_wait3A_27, %dma_wait3A_28] : memref<16x80x128xi32, #tpu.memory_space<hbm>> -> memref<1x8x128xi32, #tpu.memory_space<hbm>>
    %dma_wait3A_30 = tpu.memref_squeeze %dma_wait3A_29 : memref<1x8x128xi32, #tpu.memory_space<hbm>> -> memref<8x128xi32, #tpu.memory_space<hbm>>
    %dma_wait3A_31 = arith.constant 0 : i32
    %dma_wait3A_32 = arith.constant 0 : i32
    %dma_wait3A_33 = tpu.memref_slice %arg9[%dma_wait3A, %dma_wait3A_31, %dma_wait3A_32] : memref<2x8x128xi32, #tpu.memory_space<vmem>> -> memref<1x8x128xi32, #tpu.memory_space<vmem>>
    %dma_wait3A_34 = tpu.memref_squeeze %dma_wait3A_33 : memref<1x8x128xi32, #tpu.memory_space<vmem>> -> memref<8x128xi32, #tpu.memory_space<vmem>>
    %dma_wait3A_35 = arith.constant 0 : i32
    %dma_wait3A_36 = arith.constant 0 : i32
    %dma_wait3A_37 = tpu.memref_slice %arg3[%arg1, %dma_wait3A_35, %dma_wait3A_36] : memref<16x80x128xi32, #tpu.memory_space<hbm>> -> memref<1x8x128xi32, #tpu.memory_space<hbm>>
    %dma_wait3A_38 = tpu.memref_squeeze %dma_wait3A_37 : memref<1x8x128xi32, #tpu.memory_space<hbm>> -> memref<8x128xi32, #tpu.memory_space<hbm>>
    tpu.wait_dma2 semaphore(%arg15 : memref<!tpu.dma_semaphore, #tpu.memory_space<semaphore_mem>>) src(%dma_wait3A_38 : memref<8x128xi32, #tpu.memory_space<hbm>>) dst(%dma_wait3A_34 : memref<8x128xi32, #tpu.memory_space<vmem>>)
    %dma_start3A_39 = arith.constant 0 : i32
    %dma_start3A_40 = arith.constant 0 : i32
    %dma_start3A_41 = arith.constant 0 : i32
    %dma_start3A_42 = tpu.memref_slice %arg10[%dma_start3A_39, %dma_start3A_40, %dma_start3A_41] : memref<2x8x128xi32, #tpu.memory_space<vmem>> -> memref<1x8x128xi32, #tpu.memory_space<vmem>>
    %dma_start3A_43 = tpu.memref_squeeze %dma_start3A_42 : memref<1x8x128xi32, #tpu.memory_space<vmem>> -> memref<8x128xi32, #tpu.memory_space<vmem>>
    %dma_start3A_44 = arith.constant 0 : i32
    %dma_start3A_45 = arith.constant 0 : i32
    %dma_start3A_46 = tpu.memref_slice %arg4[%arg1, %dma_start3A_44, %dma_start3A_45] : memref<16x80x128xi32, #tpu.memory_space<hbm>> -> memref<1x8x128xi32, #tpu.memory_space<hbm>>
    %dma_start3A_47 = tpu.memref_squeeze %dma_start3A_46 : memref<1x8x128xi32, #tpu.memory_space<hbm>> -> memref<8x128xi32, #tpu.memory_space<hbm>>
    %dma_start3A_48 = arith.constant 0 : i32
    %dma_start3A_49 = arith.constant 0 : i32
    %dma_start3A_50 = tpu.memref_slice %arg10[%dma_start3A_39, %dma_start3A_48, %dma_start3A_49] : memref<2x8x128xi32, #tpu.memory_space<vmem>> -> memref<1x8x128xi32, #tpu.memory_space<vmem>>
    %dma_start3A_51 = tpu.memref_squeeze %dma_start3A_50 : memref<1x8x128xi32, #tpu.memory_space<vmem>> -> memref<8x128xi32, #tpu.memory_space<vmem>>
    %dma_start3A_52 = arith.constant 0 : i32
    %dma_start3A_53 = arith.constant 0 : i32
    %dma_start3A_54 = tpu.memref_slice %arg4[%arg1, %dma_start3A_52, %dma_start3A_53] : memref<16x80x128xi32, #tpu.memory_space<hbm>> -> memref<1x8x128xi32, #tpu.memory_space<hbm>>
    %dma_start3A_55 = tpu.memref_squeeze %dma_start3A_54 : memref<1x8x128xi32, #tpu.memory_space<hbm>> -> memref<8x128xi32, #tpu.memory_space<hbm>>
    tpu.enqueue_dma source(%dma_start3A_55 : memref<8x128xi32, #tpu.memory_space<hbm>>) target(%dma_start3A_51 : memref<8x128xi32, #tpu.memory_space<vmem>>) target_semaphore(%arg16 : memref<!tpu.dma_semaphore, #tpu.memory_space<semaphore_mem>>)
    %dma_wait3A_56 = arith.constant 0 : i32
    %dma_wait3A_57 = arith.constant 0 : i32
    %dma_wait3A_58 = arith.constant 0 : i32
    %dma_wait3A_59 = tpu.memref_slice %arg10[%dma_wait3A_56, %dma_wait3A_57, %dma_wait3A_58] : memref<2x8x128xi32, #tpu.memory_space<vmem>> -> memref<1x8x128xi32, #tpu.memory_space<vmem>>
    %dma_wait3A_60 = tpu.memref_squeeze %dma_wait3A_59 : memref<1x8x128xi32, #tpu.memory_space<vmem>> -> memref<8x128xi32, #tpu.memory_space<vmem>>
    %dma_wait3A_61 = arith.constant 0 : i32
    %dma_wait3A_62 = arith.constant 0 : i32
    %dma_wait3A_63 = tpu.memref_slice %arg4[%arg1, %dma_wait3A_61, %dma_wait3A_62] : memref<16x80x128xi32, #tpu.memory_space<hbm>> -> memref<1x8x128xi32, #tpu.memory_space<hbm>>
    %dma_wait3A_64 = tpu.memref_squeeze %dma_wait3A_63 : memref<1x8x128xi32, #tpu.memory_space<hbm>> -> memref<8x128xi32, #tpu.memory_space<hbm>>
    %dma_wait3A_65 = arith.constant 0 : i32
    %dma_wait3A_66 = arith.constant 0 : i32
    %dma_wait3A_67 = tpu.memref_slice %arg10[%dma_wait3A_56, %dma_wait3A_65, %dma_wait3A_66] : memref<2x8x128xi32, #tpu.memory_space<vmem>> -> memref<1x8x128xi32, #tpu.memory_space<vmem>>
    %dma_wait3A_68 = tpu.memref_squeeze %dma_wait3A_67 : memref<1x8x128xi32, #tpu.memory_space<vmem>> -> memref<8x128xi32, #tpu.memory_space<vmem>>
    %dma_wait3A_69 = arith.constant 0 : i32
    %dma_wait3A_70 = arith.constant 0 : i32
    %dma_wait3A_71 = tpu.memref_slice %arg4[%arg1, %dma_wait3A_69, %dma_wait3A_70] : memref<16x80x128xi32, #tpu.memory_space<hbm>> -> memref<1x8x128xi32, #tpu.memory_space<hbm>>
    %dma_wait3A_72 = tpu.memref_squeeze %dma_wait3A_71 : memref<1x8x128xi32, #tpu.memory_space<hbm>> -> memref<8x128xi32, #tpu.memory_space<hbm>>
    tpu.wait_dma2 semaphore(%arg16 : memref<!tpu.dma_semaphore, #tpu.memory_space<semaphore_mem>>) src(%dma_wait3A_72 : memref<8x128xi32, #tpu.memory_space<hbm>>) dst(%dma_wait3A_68 : memref<8x128xi32, #tpu.memory_space<vmem>>)
    %barrier3A = arith.constant 0 : index
    tpu.barrier barrier_id(%barrier3A)
    %broadcast_in_dim3A = arith.constant 1.000000e+00 : f32
    %broadcast_in_dim3A_73 = vector.broadcast %broadcast_in_dim3A : f32 to vector<16xf32>
    %dma_start3A_74 = arith.constant 0 : i32
    %dma_start3A_75 = arith.constant 0 : i32
    %dma_start3A_76 = arith.constant 0 : i32
    %dma_start3A_77 = arith.constant 0 : i32
    %dma_start3A_78 = arith.constant 0 : i32
    %dma_start3A_79 = tpu.memref_slice %arg11[%dma_start3A_76, %dma_start3A_77, %dma_start3A_78] : memref<2x128x128xf32, #tpu.memory_space<vmem>> -> memref<1x128x128xf32, #tpu.memory_space<vmem>>
    %dma_start3A_80 = tpu.memref_squeeze %dma_start3A_79 : memref<1x128x128xf32, #tpu.memory_space<vmem>> -> memref<128x128xf32, #tpu.memory_space<vmem>>
    %dma_start3A_81 = arith.constant 0 : i32
    %dma_start3A_82 = tpu.memref_slice %arg10[%dma_start3A_74, %dma_start3A_75, %dma_start3A_81] : memref<2x8x128xi32, #tpu.memory_space<vmem>> -> memref<1x1x128xi32, #tpu.memory_space<vmem>>
    %dma_start3A_83 = tpu.memref_squeeze %dma_start3A_82 : memref<1x1x128xi32, #tpu.memory_space<vmem>> -> memref<128xi32, #tpu.memory_space<vmem>>
    %dma_start3A_84 = arith.constant 0 : i32
    %dma_start3A_85 = arith.constant 0 : i32
    %dma_start3A_86 = tpu.memref_slice %arg2[%arg0, %dma_start3A_84, %dma_start3A_85] : memref<2x10000x128xf32, #tpu.memory_space<hbm>> -> memref<1x10000x128xf32, #tpu.memory_space<hbm>>
    %dma_start3A_87 = tpu.memref_squeeze %dma_start3A_86 : memref<1x10000x128xf32, #tpu.memory_space<hbm>> -> memref<10000x128xf32, #tpu.memory_space<hbm>>
    %dma_start3A_88 = arith.constant 0 : i32
    %dma_start3A_89 = arith.constant 0 : i32
    %dma_start3A_90 = tpu.memref_slice %dma_start3A_87[%dma_start3A_88, %dma_start3A_89] : memref<10000x128xf32, #tpu.memory_space<hbm>> -> memref<10000x128xf32, #tpu.memory_space<hbm>>
    tpu.enqueue_indirect_dma source(%dma_start3A_90 : memref<10000x128xf32, #tpu.memory_space<hbm>>) target(%dma_start3A_80 : memref<128x128xf32, #tpu.memory_space<vmem>>) offsets(%dma_start3A_83 : memref<128xi32, #tpu.memory_space<vmem>>) semaphore(%arg13 : memref<!tpu.dma_semaphore, #tpu.memory_space<semaphore_mem>>)
    %scan3A_91 = arith.constant 0 : i32
    %scan3A_92 = arith.constant 0 : i32
    %scan3A_93 = arith.constant 80 : i32
    %scan3A_94 = arith.addi %scan3A_92, %scan3A_93 : i32
    %scan3A_95 = arith.constant 1 : i32
    %scan3A_96 = scf.for %scan3A_103 = %scan3A_92 to %scan3A_94 step %scan3A_95 iter_args(%scan3A_104 = %scan3A_91) -> (i32)  : i32 {
      %shift_right_arithmetic3A = arith.constant 3 : i32
      %shift_right_arithmetic3A_105 = arith.shrsi %scan3A_103, %shift_right_arithmetic3A : i32
      %and3A = arith.constant 7 : i32
      %and3A_106 = arith.andi %scan3A_103, %and3A : i32
      %and3A_107 = arith.constant 1 : i32
      %and3A_108 = arith.andi %shift_right_arithmetic3A_105, %and3A_107 : i32
      %and3A_109 = arith.constant 1 : i32
      %and3A_110 = arith.andi %scan3A_103, %and3A_109 : i32
      %add3A_111 = arith.constant 1 : i32
      %add3A_112 = arith.addi %scan3A_103, %add3A_111 : i32
      %shift_right_arithmetic3A_113 = arith.constant 3 : i32
      %shift_right_arithmetic3A_114 = arith.shrsi %add3A_112, %shift_right_arithmetic3A_113 : i32
      %and3A_115 = arith.constant 1 : i32
      %and3A_116 = arith.andi %shift_right_arithmetic3A_114, %and3A_115 : i32
      %and3A_117 = arith.constant 7 : i32
      %and3A_118 = arith.andi %add3A_112, %and3A_117 : i32
      %eq3A = arith.constant 0 : i32
      %eq3A_119 = arith.cmpi eq, %and3A_106, %eq3A : i32
      %add3A_120 = arith.constant 1 : i32
      %add3A_121 = arith.addi %shift_right_arithmetic3A_105, %add3A_120 : i32
      %lt3A = arith.constant 10 : i32
      %lt3A_122 = arith.cmpi slt, %add3A_121, %lt3A : i32
      %and3A_123 = arith.andi %eq3A_119, %lt3A_122 : i1
      %convert_element_type3A = arith.extui %and3A_123 : i1 to i32
      %cond3A = arith.constant 0 : i32
      %cond3A_124 = arith.cmpi ne, %convert_element_type3A, %cond3A : i32
      scf.if %cond3A_124 {
        %add3A_187 = arith.constant 1 : i32
        %add3A_188 = arith.addi %shift_right_arithmetic3A_105, %add3A_187 : i32
        %mul3A_189 = arith.constant 8 : i32
        %mul3A_190 = arith.muli %add3A_188, %mul3A_189 : i32
        %sub3A = arith.constant 1 : i32
        %sub3A_191 = arith.subi %sub3A, %and3A_108 : i32
        %dma_start3A_192 = arith.constant 0 : i32
        %dma_start3A_193 = arith.constant 0 : i32
        %dma_start3A_194 = tpu.memref_slice %arg9[%sub3A_191, %dma_start3A_192, %dma_start3A_193] : memref<2x8x128xi32, #tpu.memory_space<vmem>> -> memref<1x8x128xi32, #tpu.memory_space<vmem>>
        %dma_start3A_195 = tpu.memref_squeeze %dma_start3A_194 : memref<1x8x128xi32, #tpu.memory_space<vmem>> -> memref<8x128xi32, #tpu.memory_space<vmem>>
        %dma_start3A_196 = arith.constant 0 : i32
        %dma_start3A_197 = tpu.memref_slice %arg3[%arg1, %mul3A_190, %dma_start3A_196] : memref<16x80x128xi32, #tpu.memory_space<hbm>> -> memref<1x8x128xi32, #tpu.memory_space<hbm>>
        %dma_start3A_198 = tpu.memref_squeeze %dma_start3A_197 : memref<1x8x128xi32, #tpu.memory_space<hbm>> -> memref<8x128xi32, #tpu.memory_space<hbm>>
        %dma_start3A_199 = arith.constant 0 : i32
        %dma_start3A_200 = arith.constant 0 : i32
        %dma_start3A_201 = tpu.memref_slice %arg9[%sub3A_191, %dma_start3A_199, %dma_start3A_200] : memref<2x8x128xi32, #tpu.memory_space<vmem>> -> memref<1x8x128xi32, #tpu.memory_space<vmem>>
        %dma_start3A_202 = tpu.memref_squeeze %dma_start3A_201 : memref<1x8x128xi32, #tpu.memory_space<vmem>> -> memref<8x128xi32, #tpu.memory_space<vmem>>
        %dma_start3A_203 = arith.constant 0 : i32
        %dma_start3A_204 = tpu.memref_slice %arg3[%arg1, %mul3A_190, %dma_start3A_203] : memref<16x80x128xi32, #tpu.memory_space<hbm>> -> memref<1x8x128xi32, #tpu.memory_space<hbm>>
        %dma_start3A_205 = tpu.memref_squeeze %dma_start3A_204 : memref<1x8x128xi32, #tpu.memory_space<hbm>> -> memref<8x128xi32, #tpu.memory_space<hbm>>
        tpu.enqueue_dma source(%dma_start3A_205 : memref<8x128xi32, #tpu.memory_space<hbm>>) target(%dma_start3A_202 : memref<8x128xi32, #tpu.memory_space<vmem>>) target_semaphore(%arg15 : memref<!tpu.dma_semaphore, #tpu.memory_space<semaphore_mem>>)
        %sub3A_206 = arith.constant 1 : i32
        %sub3A_207 = arith.subi %sub3A_206, %and3A_108 : i32
        %dma_start3A_208 = arith.constant 0 : i32
        %dma_start3A_209 = arith.constant 0 : i32
        %dma_start3A_210 = tpu.memref_slice %arg10[%sub3A_207, %dma_start3A_208, %dma_start3A_209] : memref<2x8x128xi32, #tpu.memory_space<vmem>> -> memref<1x8x128xi32, #tpu.memory_space<vmem>>
        %dma_start3A_211 = tpu.memref_squeeze %dma_start3A_210 : memref<1x8x128xi32, #tpu.memory_space<vmem>> -> memref<8x128xi32, #tpu.memory_space<vmem>>
        %dma_start3A_212 = arith.constant 0 : i32
        %dma_start3A_213 = tpu.memref_slice %arg4[%arg1, %mul3A_190, %dma_start3A_212] : memref<16x80x128xi32, #tpu.memory_space<hbm>> -> memref<1x8x128xi32, #tpu.memory_space<hbm>>
        %dma_start3A_214 = tpu.memref_squeeze %dma_start3A_213 : memref<1x8x128xi32, #tpu.memory_space<hbm>> -> memref<8x128xi32, #tpu.memory_space<hbm>>
        %dma_start3A_215 = arith.constant 0 : i32
        %dma_start3A_216 = arith.constant 0 : i32
        %dma_start3A_217 = tpu.memref_slice %arg10[%sub3A_207, %dma_start3A_215, %dma_start3A_216] : memref<2x8x128xi32, #tpu.memory_space<vmem>> -> memref<1x8x128xi32, #tpu.memory_space<vmem>>
        %dma_start3A_218 = tpu.memref_squeeze %dma_start3A_217 : memref<1x8x128xi32, #tpu.memory_space<vmem>> -> memref<8x128xi32, #tpu.memory_space<vmem>>
        %dma_start3A_219 = arith.constant 0 : i32
        %dma_start3A_220 = tpu.memref_slice %arg4[%arg1, %mul3A_190, %dma_start3A_219] : memref<16x80x128xi32, #tpu.memory_space<hbm>> -> memref<1x8x128xi32, #tpu.memory_space<hbm>>
        %dma_start3A_221 = tpu.memref_squeeze %dma_start3A_220 : memref<1x8x128xi32, #tpu.memory_space<hbm>> -> memref<8x128xi32, #tpu.memory_space<hbm>>
        tpu.enqueue_dma source(%dma_start3A_221 : memref<8x128xi32, #tpu.memory_space<hbm>>) target(%dma_start3A_218 : memref<8x128xi32, #tpu.memory_space<vmem>>) target_semaphore(%arg16 : memref<!tpu.dma_semaphore, #tpu.memory_space<semaphore_mem>>)
      } else {
      }
      %eq3A_125 = arith.constant 7 : i32
      %eq3A_126 = arith.cmpi eq, %and3A_106, %eq3A_125 : i32
      %lt3A_127 = arith.constant 80 : i32
      %lt3A_128 = arith.cmpi slt, %add3A_112, %lt3A_127 : i32
      %and3A_129 = arith.andi %eq3A_126, %lt3A_128 : i1
      %convert_element_type3A_130 = arith.extui %and3A_129 : i1 to i32
      %cond3A_131 = arith.constant 0 : i32
      %cond3A_132 = arith.cmpi ne, %convert_element_type3A_130, %cond3A_131 : i32
      scf.if %cond3A_132 {
        %sub3A = arith.constant 1 : i32
        %sub3A_187 = arith.subi %sub3A, %and3A_108 : i32
        %dma_wait3A_188 = arith.constant 0 : i32
        %dma_wait3A_189 = arith.constant 0 : i32
        %dma_wait3A_190 = tpu.memref_slice %arg9[%sub3A_187, %dma_wait3A_188, %dma_wait3A_189] : memref<2x8x128xi32, #tpu.memory_space<vmem>> -> memref<1x8x128xi32, #tpu.memory_space<vmem>>
        %dma_wait3A_191 = tpu.memref_squeeze %dma_wait3A_190 : memref<1x8x128xi32, #tpu.memory_space<vmem>> -> memref<8x128xi32, #tpu.memory_space<vmem>>
        %dma_wait3A_192 = arith.constant 0 : i32
        %dma_wait3A_193 = arith.constant 0 : i32
        %dma_wait3A_194 = tpu.memref_slice %arg3[%arg1, %dma_wait3A_192, %dma_wait3A_193] : memref<16x80x128xi32, #tpu.memory_space<hbm>> -> memref<1x8x128xi32, #tpu.memory_space<hbm>>
        %dma_wait3A_195 = tpu.memref_squeeze %dma_wait3A_194 : memref<1x8x128xi32, #tpu.memory_space<hbm>> -> memref<8x128xi32, #tpu.memory_space<hbm>>
        %dma_wait3A_196 = arith.constant 0 : i32
        %dma_wait3A_197 = arith.constant 0 : i32
        %dma_wait3A_198 = tpu.memref_slice %arg9[%sub3A_187, %dma_wait3A_196, %dma_wait3A_197] : memref<2x8x128xi32, #tpu.memory_space<vmem>> -> memref<1x8x128xi32, #tpu.memory_space<vmem>>
        %dma_wait3A_199 = tpu.memref_squeeze %dma_wait3A_198 : memref<1x8x128xi32, #tpu.memory_space<vmem>> -> memref<8x128xi32, #tpu.memory_space<vmem>>
        %dma_wait3A_200 = arith.constant 0 : i32
        %dma_wait3A_201 = arith.constant 0 : i32
        %dma_wait3A_202 = tpu.memref_slice %arg3[%arg1, %dma_wait3A_200, %dma_wait3A_201] : memref<16x80x128xi32, #tpu.memory_space<hbm>> -> memref<1x8x128xi32, #tpu.memory_space<hbm>>
        %dma_wait3A_203 = tpu.memref_squeeze %dma_wait3A_202 : memref<1x8x128xi32, #tpu.memory_space<hbm>> -> memref<8x128xi32, #tpu.memory_space<hbm>>
        tpu.wait_dma2 semaphore(%arg15 : memref<!tpu.dma_semaphore, #tpu.memory_space<semaphore_mem>>) src(%dma_wait3A_203 : memref<8x128xi32, #tpu.memory_space<hbm>>) dst(%dma_wait3A_199 : memref<8x128xi32, #tpu.memory_space<vmem>>)
        %sub3A_204 = arith.constant 1 : i32
        %sub3A_205 = arith.subi %sub3A_204, %and3A_108 : i32
        %dma_wait3A_206 = arith.constant 0 : i32
        %dma_wait3A_207 = arith.constant 0 : i32
        %dma_wait3A_208 = tpu.memref_slice %arg10[%sub3A_205, %dma_wait3A_206, %dma_wait3A_207] : memref<2x8x128xi32, #tpu.memory_space<vmem>> -> memref<1x8x128xi32, #tpu.memory_space<vmem>>
        %dma_wait3A_209 = tpu.memref_squeeze %dma_wait3A_208 : memref<1x8x128xi32, #tpu.memory_space<vmem>> -> memref<8x128xi32, #tpu.memory_space<vmem>>
        %dma_wait3A_210 = arith.constant 0 : i32
        %dma_wait3A_211 = arith.constant 0 : i32
        %dma_wait3A_212 = tpu.memref_slice %arg4[%arg1, %dma_wait3A_210, %dma_wait3A_211] : memref<16x80x128xi32, #tpu.memory_space<hbm>> -> memref<1x8x128xi32, #tpu.memory_space<hbm>>
        %dma_wait3A_213 = tpu.memref_squeeze %dma_wait3A_212 : memref<1x8x128xi32, #tpu.memory_space<hbm>> -> memref<8x128xi32, #tpu.memory_space<hbm>>
        %dma_wait3A_214 = arith.constant 0 : i32
        %dma_wait3A_215 = arith.constant 0 : i32
        %dma_wait3A_216 = tpu.memref_slice %arg10[%sub3A_205, %dma_wait3A_214, %dma_wait3A_215] : memref<2x8x128xi32, #tpu.memory_space<vmem>> -> memref<1x8x128xi32, #tpu.memory_space<vmem>>
        %dma_wait3A_217 = tpu.memref_squeeze %dma_wait3A_216 : memref<1x8x128xi32, #tpu.memory_space<vmem>> -> memref<8x128xi32, #tpu.memory_space<vmem>>
        %dma_wait3A_218 = arith.constant 0 : i32
        %dma_wait3A_219 = arith.constant 0 : i32
        %dma_wait3A_220 = tpu.memref_slice %arg4[%arg1, %dma_wait3A_218, %dma_wait3A_219] : memref<16x80x128xi32, #tpu.memory_space<hbm>> -> memref<1x8x128xi32, #tpu.memory_space<hbm>>
        %dma_wait3A_221 = tpu.memref_squeeze %dma_wait3A_220 : memref<1x8x128xi32, #tpu.memory_space<hbm>> -> memref<8x128xi32, #tpu.memory_space<hbm>>
        tpu.wait_dma2 semaphore(%arg16 : memref<!tpu.dma_semaphore, #tpu.memory_space<semaphore_mem>>) src(%dma_wait3A_221 : memref<8x128xi32, #tpu.memory_space<hbm>>) dst(%dma_wait3A_217 : memref<8x128xi32, #tpu.memory_space<vmem>>)
      } else {
      }
      %dma_wait3A_133 = arith.constant 0 : i32
      %dma_wait3A_134 = arith.constant 0 : i32
      %dma_wait3A_135 = tpu.memref_slice %arg11[%and3A_110, %dma_wait3A_133, %dma_wait3A_134] : memref<2x128x128xf32, #tpu.memory_space<vmem>> -> memref<1x128x128xf32, #tpu.memory_space<vmem>>
      %dma_wait3A_136 = tpu.memref_squeeze %dma_wait3A_135 : memref<1x128x128xf32, #tpu.memory_space<vmem>> -> memref<128x128xf32, #tpu.memory_space<vmem>>
      %dma_wait3A_137 = arith.constant 0 : i32
      %dma_wait3A_138 = arith.constant 0 : i32
      %dma_wait3A_139 = tpu.memref_slice %arg2[%arg0, %dma_wait3A_137, %dma_wait3A_138] : memref<2x10000x128xf32, #tpu.memory_space<hbm>> -> memref<1x128x128xf32, #tpu.memory_space<hbm>>
      %dma_wait3A_140 = tpu.memref_squeeze %dma_wait3A_139 : memref<1x128x128xf32, #tpu.memory_space<hbm>> -> memref<128x128xf32, #tpu.memory_space<hbm>>
      %dma_wait3A_141 = arith.constant 0 : i32
      %dma_wait3A_142 = arith.constant 0 : i32
      %dma_wait3A_143 = tpu.memref_slice %arg11[%and3A_110, %dma_wait3A_141, %dma_wait3A_142] : memref<2x128x128xf32, #tpu.memory_space<vmem>> -> memref<1x128x128xf32, #tpu.memory_space<vmem>>
      %dma_wait3A_144 = tpu.memref_squeeze %dma_wait3A_143 : memref<1x128x128xf32, #tpu.memory_space<vmem>> -> memref<128x128xf32, #tpu.memory_space<vmem>>
      %dma_wait3A_145 = arith.constant 0 : i32
      %dma_wait3A_146 = arith.constant 0 : i32
      %dma_wait3A_147 = tpu.memref_slice %arg2[%arg0, %dma_wait3A_145, %dma_wait3A_146] : memref<2x10000x128xf32, #tpu.memory_space<hbm>> -> memref<1x128x128xf32, #tpu.memory_space<hbm>>
      %dma_wait3A_148 = tpu.memref_squeeze %dma_wait3A_147 : memref<1x128x128xf32, #tpu.memory_space<hbm>> -> memref<128x128xf32, #tpu.memory_space<hbm>>
      tpu.wait_dma2 semaphore(%arg13 : memref<!tpu.dma_semaphore, #tpu.memory_space<semaphore_mem>>) src(%dma_wait3A_148 : memref<128x128xf32, #tpu.memory_space<hbm>>) dst(%dma_wait3A_144 : memref<128x128xf32, #tpu.memory_space<vmem>>)
      %lt3A_149 = arith.constant 80 : i32
      %lt3A_150 = arith.cmpi slt, %add3A_112, %lt3A_149 : i32
      %convert_element_type3A_151 = arith.extui %lt3A_150 : i1 to i32
      %cond3A_152 = arith.constant 0 : i32
      %cond3A_153 = arith.cmpi ne, %convert_element_type3A_151, %cond3A_152 : i32
      scf.if %cond3A_153 {
        %sub3A = arith.constant 1 : i32
        %sub3A_187 = arith.subi %sub3A, %and3A_110 : i32
        %dma_start3A_188 = arith.constant 0 : i32
        %dma_start3A_189 = arith.constant 0 : i32
        %dma_start3A_190 = tpu.memref_slice %arg11[%sub3A_187, %dma_start3A_188, %dma_start3A_189] : memref<2x128x128xf32, #tpu.memory_space<vmem>> -> memref<1x128x128xf32, #tpu.memory_space<vmem>>
        %dma_start3A_191 = tpu.memref_squeeze %dma_start3A_190 : memref<1x128x128xf32, #tpu.memory_space<vmem>> -> memref<128x128xf32, #tpu.memory_space<vmem>>
        %dma_start3A_192 = arith.constant 0 : i32
        %dma_start3A_193 = tpu.memref_slice %arg10[%and3A_116, %and3A_118, %dma_start3A_192] : memref<2x8x128xi32, #tpu.memory_space<vmem>> -> memref<1x1x128xi32, #tpu.memory_space<vmem>>
        %dma_start3A_194 = tpu.memref_squeeze %dma_start3A_193 : memref<1x1x128xi32, #tpu.memory_space<vmem>> -> memref<128xi32, #tpu.memory_space<vmem>>
        %dma_start3A_195 = arith.constant 0 : i32
        %dma_start3A_196 = arith.constant 0 : i32
        %dma_start3A_197 = tpu.memref_slice %arg2[%arg0, %dma_start3A_195, %dma_start3A_196] : memref<2x10000x128xf32, #tpu.memory_space<hbm>> -> memref<1x10000x128xf32, #tpu.memory_space<hbm>>
        %dma_start3A_198 = tpu.memref_squeeze %dma_start3A_197 : memref<1x10000x128xf32, #tpu.memory_space<hbm>> -> memref<10000x128xf32, #tpu.memory_space<hbm>>
        %dma_start3A_199 = arith.constant 0 : i32
        %dma_start3A_200 = arith.constant 0 : i32
        %dma_start3A_201 = tpu.memref_slice %dma_start3A_198[%dma_start3A_199, %dma_start3A_200] : memref<10000x128xf32, #tpu.memory_space<hbm>> -> memref<10000x128xf32, #tpu.memory_space<hbm>>
        tpu.enqueue_indirect_dma source(%dma_start3A_201 : memref<10000x128xf32, #tpu.memory_space<hbm>>) target(%dma_start3A_191 : memref<128x128xf32, #tpu.memory_space<vmem>>) offsets(%dma_start3A_194 : memref<128xi32, #tpu.memory_space<vmem>>) semaphore(%arg13 : memref<!tpu.dma_semaphore, #tpu.memory_space<semaphore_mem>>)
      } else {
      }
      %dma_start3A_154 = arith.constant 0 : i32
      %dma_start3A_155 = arith.constant 0 : i32
      %dma_start3A_156 = tpu.memref_slice %arg11[%and3A_110, %dma_start3A_154, %dma_start3A_155] : memref<2x128x128xf32, #tpu.memory_space<vmem>> -> memref<1x128x128xf32, #tpu.memory_space<vmem>>
      %dma_start3A_157 = tpu.memref_squeeze %dma_start3A_156 : memref<1x128x128xf32, #tpu.memory_space<vmem>> -> memref<128x128xf32, #tpu.memory_space<vmem>>
      %dma_start3A_158 = arith.constant 0 : i32
      %dma_start3A_159 = tpu.memref_slice %arg9[%and3A_108, %and3A_106, %dma_start3A_158] : memref<2x8x128xi32, #tpu.memory_space<vmem>> -> memref<1x1x128xi32, #tpu.memory_space<vmem>>
      %dma_start3A_160 = tpu.memref_squeeze %dma_start3A_159 : memref<1x1x128xi32, #tpu.memory_space<vmem>> -> memref<128xi32, #tpu.memory_space<vmem>>
      %dma_start3A_161 = arith.constant 0 : i32
      %dma_start3A_162 = arith.constant 0 : i32
      %dma_start3A_163 = tpu.memref_slice %arg8[%dma_start3A_161, %dma_start3A_162] : memref<10240x128xf32, #tpu.memory_space<vmem_shared>> -> memref<10240x128xf32, #tpu.memory_space<vmem_shared>>
      tpu.enqueue_indirect_dma source(%dma_start3A_157 : memref<128x128xf32, #tpu.memory_space<vmem>>) target(%dma_start3A_163 : memref<10240x128xf32, #tpu.memory_space<vmem_shared>>) offsets(%dma_start3A_160 : memref<128xi32, #tpu.memory_space<vmem>>) semaphore(%arg14 : memref<!tpu.dma_semaphore, #tpu.memory_space<semaphore_mem>>) {add = true}
      %eq3A_164 = arith.constant 0 : i32
      %eq3A_165 = arith.cmpi eq, %arg0, %eq3A_164 : i32
      %lt3A_166 = arith.constant 40 : i32
      %lt3A_167 = arith.cmpi slt, %scan3A_103, %lt3A_166 : i32
      %and3A_168 = arith.andi %eq3A_165, %lt3A_167 : i1
      %eq3A_169 = arith.constant 1 : i32
      %eq3A_170 = arith.cmpi eq, %arg0, %eq3A_169 : i32
      %ge3A = arith.constant 40 : i32
      %ge3A_171 = arith.cmpi sge, %scan3A_103, %ge3A : i32
      %and3A_172 = arith.andi %eq3A_170, %ge3A_171 : i1
      %or3A = arith.ori %and3A_168, %and3A_172 : i1
      %convert_element_type3A_173 = arith.extui %or3A : i1 to i32
      %cond3A_174 = arith.constant 0 : i32
      %cond3A_175 = arith.cmpi ne, %convert_element_type3A_173, %cond3A_174 : i32
      scf.if %cond3A_175 {
        %scan3A_187 = arith.constant 0 : i32
        %scan3A_188 = arith.constant 0 : i32
        %scan3A_189 = arith.constant 8 : i32
        %scan3A_190 = arith.addi %scan3A_188, %scan3A_189 : i32
        %scan3A_191 = arith.constant 1 : i32
        %scan3A_192 = scf.for %scan3A_194 = %scan3A_188 to %scan3A_190 step %scan3A_191 iter_args(%scan3A_195 = %scan3A_187) -> (i32)  : i32 {
          %mul3A_196 = arith.constant 16 : i32
          %mul3A_197 = arith.muli %scan3A_194, %mul3A_196 : i32
          %get3A = arith.index_cast %and3A_108 : i32 to index
          %get3A_198 = arith.index_cast %and3A_106 : i32 to index
          %get3A_199 = arith.index_cast %mul3A_197 : i32 to index
          %get3A_200 = tpu.vector_load %arg9[%get3A, %get3A_198, %get3A_199] {strides = array<i32>} : memref<2x8x128xi32, #tpu.memory_space<vmem>>, vector<16xi32>,
          tpu.vector_store_idx %arg12[%get3A_200], %broadcast_in_dim3A_73 {add = true} : memref<10016xf32, #tpu.memory_space<vmem>>[vector<16xi32>], vector<16xf32>,
          %scan3A_201 = arith.constant 0 : i32
          scf.yield %scan3A_201 : i32
        }
        %scan3A_193 = arith.constant 8 : i32
      } else {
      }
      %dma_wait3A_176 = arith.constant 0 : i32
      %dma_wait3A_177 = arith.constant 0 : i32
      %dma_wait3A_178 = tpu.memref_slice %arg11[%and3A_110, %dma_wait3A_176, %dma_wait3A_177] : memref<2x128x128xf32, #tpu.memory_space<vmem>> -> memref<1x128x128xf32, #tpu.memory_space<vmem>>
      %dma_wait3A_179 = tpu.memref_squeeze %dma_wait3A_178 : memref<1x128x128xf32, #tpu.memory_space<vmem>> -> memref<128x128xf32, #tpu.memory_space<vmem>>
      %dma_wait3A_180 = arith.constant 0 : i32
      %dma_wait3A_181 = tpu.memref_slice %arg9[%and3A_108, %and3A_106, %dma_wait3A_180] : memref<2x8x128xi32, #tpu.memory_space<vmem>> -> memref<1x1x128xi32, #tpu.memory_space<vmem>>
      %dma_wait3A_182 = tpu.memref_squeeze %dma_wait3A_181 : memref<1x1x128xi32, #tpu.memory_space<vmem>> -> memref<128xi32, #tpu.memory_space<vmem>>
      %dma_wait3A_183 = arith.constant 0 : i32
      %dma_wait3A_184 = arith.constant 0 : i32
      %dma_wait3A_185 = tpu.memref_slice %arg8[%dma_wait3A_183, %dma_wait3A_184] : memref<10240x128xf32, #tpu.memory_space<vmem_shared>> -> memref<10240x128xf32, #tpu.memory_space<vmem_shared>>
      tpu.wait_indirect_dma semaphore(%arg14 : memref<!tpu.dma_semaphore, #tpu.memory_space<semaphore_mem>>) src(%dma_wait3A_179 : memref<128x128xf32, #tpu.memory_space<vmem>>) dst(%dma_wait3A_185 : memref<10240x128xf32, #tpu.memory_space<vmem_shared>>)
      %scan3A_186 = arith.constant 0 : i32
      scf.yield %scan3A_186 : i32
    }
    %scan3A_97 = arith.constant 80 : i32
    %mul3A_98 = arith.constant 16 : i32
    %mul3A_99 = arith.muli %arg0, %mul3A_98 : i32
    %add3A = arith.addi %mul3A_99, %arg1 : i32
    "tpu.region"() ({
      %run_scoped3A = tpu.sem_alloc : memref<!tpu.dma_semaphore, #tpu.memory_space<semaphore_mem>>
      %dma_start3A_103 = arith.constant 0 : i32
      %dma_start3A_104 = tpu.memref_slice %arg7[%add3A, %dma_start3A_103] : memref<32x10016xf32, #tpu.memory_space<hbm>> -> memref<1x10016xf32, #tpu.memory_space<hbm>>
      %dma_start3A_105 = tpu.memref_squeeze %dma_start3A_104 : memref<1x10016xf32, #tpu.memory_space<hbm>> -> memref<10016xf32, #tpu.memory_space<hbm>>
      %dma_start3A_106 = arith.constant 0 : i32
      %dma_start3A_107 = tpu.memref_slice %arg7[%add3A, %dma_start3A_106] : memref<32x10016xf32, #tpu.memory_space<hbm>> -> memref<1x10016xf32, #tpu.memory_space<hbm>>
      %dma_start3A_108 = tpu.memref_squeeze %dma_start3A_107 : memref<1x10016xf32, #tpu.memory_space<hbm>> -> memref<10016xf32, #tpu.memory_space<hbm>>
      tpu.enqueue_dma source(%arg12 : memref<10016xf32, #tpu.memory_space<vmem>>) target(%dma_start3A_108 : memref<10016xf32, #tpu.memory_space<hbm>>) target_semaphore(%run_scoped3A : memref<!tpu.dma_semaphore, #tpu.memory_space<semaphore_mem>>)
      %dma_wait3A_109 = arith.constant 0 : i32
      %dma_wait3A_110 = tpu.memref_slice %arg7[%add3A, %dma_wait3A_109] : memref<32x10016xf32, #tpu.memory_space<hbm>> -> memref<1x10016xf32, #tpu.memory_space<hbm>>
      %dma_wait3A_111 = tpu.memref_squeeze %dma_wait3A_110 : memref<1x10016xf32, #tpu.memory_space<hbm>> -> memref<10016xf32, #tpu.memory_space<hbm>>
      %dma_wait3A_112 = arith.constant 0 : i32
      %dma_wait3A_113 = tpu.memref_slice %arg7[%add3A, %dma_wait3A_112] : memref<32x10016xf32, #tpu.memory_space<hbm>> -> memref<1x10016xf32, #tpu.memory_space<hbm>>
      %dma_wait3A_114 = tpu.memref_squeeze %dma_wait3A_113 : memref<1x10016xf32, #tpu.memory_space<hbm>> -> memref<10016xf32, #tpu.memory_space<hbm>>
      tpu.wait_dma2 semaphore(%run_scoped3A : memref<!tpu.dma_semaphore, #tpu.memory_space<semaphore_mem>>) src(%arg12 : memref<10016xf32, #tpu.memory_space<vmem>>) dst(%dma_wait3A_114 : memref<10016xf32, #tpu.memory_space<hbm>>)
      tpu.yield
    }) : () -> ()
    %barrier3A_100 = arith.constant 0 : index
    tpu.barrier barrier_id(%barrier3A_100)
    %mul3A_101 = arith.constant 640 : i32
    %mul3A_102 = arith.muli %arg1, %mul3A_101 : i32
    "tpu.region"() ({
      %run_scoped3A = tpu.sem_alloc : memref<!tpu.dma_semaphore, #tpu.memory_space<semaphore_mem>>
      %dma_start3A_103 = arith.constant 0 : i32
      %dma_start3A_104 = tpu.memref_slice %arg6[%arg0, %mul3A_102, %dma_start3A_103] : memref<2x10240x128xf32, #tpu.memory_space<hbm>> -> memref<1x640x128xf32, #tpu.memory_space<hbm>>
      %dma_start3A_105 = tpu.memref_squeeze %dma_start3A_104 : memref<1x640x128xf32, #tpu.memory_space<hbm>> -> memref<640x128xf32, #tpu.memory_space<hbm>>
      %dma_start3A_106 = arith.constant 0 : i32
      %dma_start3A_107 = tpu.memref_slice %arg8[%mul3A_102, %dma_start3A_106] : memref<10240x128xf32, #tpu.memory_space<vmem_shared>> -> memref<640x128xf32, #tpu.memory_space<vmem_shared>>
      tpu.enqueue_dma source(%dma_start3A_107 : memref<640x128xf32, #tpu.memory_space<vmem_shared>>) target(%dma_start3A_105 : memref<640x128xf32, #tpu.memory_space<hbm>>) target_semaphore(%run_scoped3A : memref<!tpu.dma_semaphore, #tpu.memory_space<semaphore_mem>>)
      %dma_wait3A_108 = arith.constant 0 : i32
      %dma_wait3A_109 = tpu.memref_slice %arg6[%arg0, %mul3A_102, %dma_wait3A_108] : memref<2x10240x128xf32, #tpu.memory_space<hbm>> -> memref<1x640x128xf32, #tpu.memory_space<hbm>>
      %dma_wait3A_110 = tpu.memref_squeeze %dma_wait3A_109 : memref<1x640x128xf32, #tpu.memory_space<hbm>> -> memref<640x128xf32, #tpu.memory_space<hbm>>
      %dma_wait3A_111 = arith.constant 0 : i32
      %dma_wait3A_112 = tpu.memref_slice %arg8[%mul3A_102, %dma_wait3A_111] : memref<10240x128xf32, #tpu.memory_space<vmem_shared>> -> memref<640x128xf32, #tpu.memory_space<vmem_shared>>
      tpu.wait_dma2 semaphore(%run_scoped3A : memref<!tpu.dma_semaphore, #tpu.memory_space<semaphore_mem>>) src(%dma_wait3A_112 : memref<640x128xf32, #tpu.memory_space<vmem_shared>>) dst(%dma_wait3A_110 : memref<640x128xf32, #tpu.memory_space<hbm>>)
      tpu.yield
    }) : () -> ()
    return
  }
}

module attributes {stable_mosaic.version = 14 : i64} {
  func.func @graphconv_tc_linear(%arg0: i32, %arg1: memref<1x2048x128xf32, #tpu.memory_space<vmem>>, %arg2: memref<1x2048x128xf32, #tpu.memory_space<vmem>>, %arg3: memref<2048x32xf32, #tpu.memory_space<vmem>>, %arg4: memref<128x256xf32, #tpu.memory_space<vmem>>, %arg5: memref<128x256xf32, #tpu.memory_space<vmem>>, %arg6: memref<1x256xf32, #tpu.memory_space<vmem>>, %arg7: memref<2048x256xf32, #tpu.memory_space<vmem>>) attributes {dimension_semantics = [#tpu.dimension_semantics<arbitrary>], iteration_bounds = array<i64: 5>, scalar_prefetch = 0 : i64, scratch_operands = 0 : i64, tpu.core_type = #tpu.core_type<tc>, window_params = [{transform_indices = @transform_0, window_bounds = array<i64: 1, 2048, 128>}, {transform_indices = @transform_1, window_bounds = array<i64: 1, 2048, 128>}, {transform_indices = @transform_2, window_bounds = array<i64: 2048, 32>}, {pipeline_mode = #tpu.pipeline_mode<synchronous>, transform_indices = @transform_3, window_bounds = array<i64: 128, 256>}, {pipeline_mode = #tpu.pipeline_mode<synchronous>, transform_indices = @transform_4, window_bounds = array<i64: 128, 256>}, {pipeline_mode = #tpu.pipeline_mode<synchronous>, transform_indices = @transform_5, window_bounds = array<i64: 1, 256>}, {transform_indices = @transform_6, window_bounds = array<i64: 2048, 256>}]} {
    %get3A = arith.constant 0 : index
    %get3A_0 = arith.constant 0 : index
    %get3A_1 = vector.load %arg3[%get3A, %get3A_0] : memref<2048x32xf32, #tpu.memory_space<vmem>>, vector<2048x32xf32>
    %reduce_sum3A = arith.constant dense<0.000000e+00> : vector<2048xf32>
    %reduce_sum3A_2 = vector.multi_reduction <add>, %get3A_1, %reduce_sum3A [1] : vector<2048x32xf32> to vector<2048xf32>
    %broadcast_in_dim3A = vector.shape_cast %reduce_sum3A_2 : vector<2048xf32> to vector<2048x1xf32>
    %max3A = arith.constant 1.000000e+00 : f32
    %max3A_3 = vector.broadcast %max3A : f32 to vector<2048x1xf32>
    %max3A_4 = arith.maximumf %broadcast_in_dim3A, %max3A_3 : vector<2048x1xf32>
    %get3A_5 = arith.constant 0 : index
    %get3A_6 = arith.constant 0 : index
    %get3A_7 = arith.constant 0 : index
    %get3A_8 = vector.load %arg1[%get3A_5, %get3A_6, %get3A_7] : memref<1x2048x128xf32, #tpu.memory_space<vmem>>, vector<1x2048x128xf32>
    %get3A_9 = vector.shape_cast %get3A_8 : vector<1x2048x128xf32> to vector<2048x128xf32>
    %get3A_10 = arith.constant 0 : index
    %get3A_11 = arith.constant 0 : index
    %get3A_12 = vector.load %arg4[%get3A_10, %get3A_11] : memref<128x256xf32, #tpu.memory_space<vmem>>, vector<128x256xf32>
    %dot_general3A = arith.constant dense<0.000000e+00> : vector<2048x256xf32>
    %dot_general3A_13 = tpu.matmul %get3A_9, %get3A_12, %dot_general3A {dimension_numbers = #tpu.dot_dimension_numbers<[1], [0], [0], [1], [0, 0, 1, 1], [], []>, transpose_lhs_hint = false} : vector<2048x128xf32>, vector<128x256xf32>, vector<2048x256xf32> -> vector<2048x256xf32>
    %get3A_14 = arith.constant 0 : index
    %get3A_15 = arith.constant 0 : index
    %get3A_16 = arith.constant 0 : index
    %get3A_17 = vector.load %arg2[%get3A_14, %get3A_15, %get3A_16] : memref<1x2048x128xf32, #tpu.memory_space<vmem>>, vector<1x2048x128xf32>
    %get3A_18 = vector.shape_cast %get3A_17 : vector<1x2048x128xf32> to vector<2048x128xf32>
    %get3A_19 = arith.constant 0 : index
    %get3A_20 = arith.constant 0 : index
    %get3A_21 = vector.load %arg5[%get3A_19, %get3A_20] : memref<128x256xf32, #tpu.memory_space<vmem>>, vector<128x256xf32>
    %dot_general3A_22 = arith.constant dense<0.000000e+00> : vector<2048x256xf32>
    %dot_general3A_23 = tpu.matmul %get3A_18, %get3A_21, %dot_general3A_22 {dimension_numbers = #tpu.dot_dimension_numbers<[1], [0], [0], [1], [0, 0, 1, 1], [], []>, transpose_lhs_hint = false} : vector<2048x128xf32>, vector<128x256xf32>, vector<2048x256xf32> -> vector<2048x256xf32>
    %add3A = arith.addf %dot_general3A_13, %dot_general3A_23 : vector<2048x256xf32>
    %div3A = vector.broadcast %max3A_4 : vector<2048x1xf32> to vector<2048x256xf32>
    %div3A_24 = arith.divf %add3A, %div3A : vector<2048x256xf32>
    %get3A_25 = arith.constant 0 : index
    %get3A_26 = arith.constant 0 : index
    %get3A_27 = vector.load %arg6[%get3A_25, %get3A_26] : memref<1x256xf32, #tpu.memory_space<vmem>>, vector<1x256xf32>
    %add3A_28 = vector.broadcast %get3A_27 : vector<1x256xf32> to vector<2048x256xf32>
    %add3A_29 = arith.addf %div3A_24, %add3A_28 : vector<2048x256xf32>
    %swap3A = arith.constant 0 : index
    %swap3A_30 = arith.constant 0 : index
    %swap3A_31 = vector.load %arg7[%swap3A, %swap3A_30] : memref<2048x256xf32, #tpu.memory_space<vmem>>, vector<2048x256xf32>
    tpu.vector_store %arg7[%swap3A, %swap3A_30], %add3A_29 {strides = array<i32>} : memref<2048x256xf32, #tpu.memory_space<vmem>>, vector<2048x256xf32>,
    return
  }
  func.func @transform_0(%arg0: i32) -> (i32, i32, i32) {
    %c0_i32 = arith.constant 0 : i32
    %c0_i32_0 = arith.constant 0 : i32
    %c0_i32_1 = arith.constant 0 : i32
    return %c0_i32, %arg0, %c0_i32_0 : i32, i32, i32
  }
  func.func @transform_1(%arg0: i32) -> (i32, i32, i32) {
    %c1_i32 = arith.constant 1 : i32
    %c0_i32 = arith.constant 0 : i32
    %c0_i32_0 = arith.constant 0 : i32
    return %c1_i32, %arg0, %c0_i32 : i32, i32, i32
  }
  func.func @transform_2(%arg0: i32) -> (i32, i32) {
    %c0_i32 = arith.constant 0 : i32
    %c0_i32_0 = arith.constant 0 : i32
    return %arg0, %c0_i32 : i32, i32
  }
  func.func @transform_3(%arg0: i32) -> (i32, i32) {
    %c0_i32 = arith.constant 0 : i32
    %c0_i32_0 = arith.constant 0 : i32
    %c0_i32_1 = arith.constant 0 : i32
    return %c0_i32, %c0_i32_0 : i32, i32
  }
  func.func @transform_4(%arg0: i32) -> (i32, i32) {
    %c0_i32 = arith.constant 0 : i32
    %c0_i32_0 = arith.constant 0 : i32
    %c0_i32_1 = arith.constant 0 : i32
    return %c0_i32, %c0_i32_0 : i32, i32
  }
  func.func @transform_5(%arg0: i32) -> (i32, i32) {
    %c0_i32 = arith.constant 0 : i32
    %c0_i32_0 = arith.constant 0 : i32
    %c0_i32_1 = arith.constant 0 : i32
    return %c0_i32, %c0_i32_0 : i32, i32
  }
  func.func @transform_6(%arg0: i32) -> (i32, i32) {
    %c0_i32 = arith.constant 0 : i32
    %c0_i32_0 = arith.constant 0 : i32
    return %arg0, %c0_i32 : i32, i32
  }
}

</mosaic_0001>

<sc_bundles>
// kernel: graphconv_sc_aggregate.3.cloned.1.call-start
scs
__scs_entry_jumppad:
0x0: {  	(pc) =	sbr.rel $0x88, $3  }
0x1: {  	(tag) =	ssettag $0x0;
	lr =	simm.s32 $0x1  }
0x2: {  	[smem:$0x3F9D] =	sst lr;
	_ =	strace $0xD0000000  }
0x3: {  	_ = 	snop  }
0x4: {  	_ = 	snop  }
0x5: {  	_ = 	snop  }
0x6: {  	_ = 	snop  }
0x7: {  	_ = 	snop  }
__scs_overlays_trampoline_lowered:
0x8: {  	[smem:$0x3FAC] =	sst s0  }
0x9: {  	[smem:$0x3FAD] =	sst s1  }
0xa: {  	[smem:$0x3FAE] =	sst s2  }
0xb: {  	[smem:$0x3FAF] =	sst s3  }
0xc: {  	[smem:$0x3FB0] =	sst s4  }
0xd: {  	[smem:$0x3FB1] =	sst s5  }
0xe: {  	[smem:$0x3FB2] =	sst s6  }
0xf: {  	[smem:$0x3FB3] =	sst s7  }
0x10: {  	[smem:$0x3FB4] =	sst s8  }
0x11: {  	[smem:$0x3FB5] =	sst s9;
	s0 =	simm.s32 @!p0 $0x0  }
0x12: {  	s1 =	sld [smem:$0x3F9B];
	s0 =	simm.s32 @p0 $0x1  }
0x13: {  	[smem:$0x3FB6] =	sst s0;
	s0 =	simm.s32 @!p1 $0x0  }
0x14: {  	s2 =	sld [smem:$0x3F9A];
	s0 =	simm.s32 @p1 $0x1  }
0x15: {  	[smem:$0x3FB7] =	sst s0;
	s0 =	simm.s32 @!p2 $0x0  }
0x16: {  	s3 =	sld [smem:$0x3FDB];
	s0 =	simm.s32 @p2 $0x1  }
0x17: {  	s4 =	simm.s32 $0x1BF5;
	[smem:$0x3FB9] =	sst s0  }
0x18: {  	s0 =	sld [smem:$0x3F9C];
	_ =	swait.ge [sflag:s4], $0x0  }
0x19: {  	s7 =	sld [smem:$0x3F9D]  }
0x1a: {  	s8 =	sadd.s32 $0xFFFFE003, lr  }
0x1b: {  	s9 =	sadd.s32 $0xFFFFFEF7, lr;
	s5 =	simm.s32 $0xFFFFFFFF;
	p2 =	slt.u32 s8, $0xFFFFF086  }
0x1c: {  	p1 =	slt.u32 s9, $0xF7A;
	s5 =	simm.s32 @!p2 $0x0  }
0x1d: {  	s5 =	simm.s32 @p1 $0x1;
	p0 =	seq.s32 s7, s2  }
0x1e: {  	s7 =	smul.u32 @!p0 $0xF7A, s2;
	p2 =	seq.s32 @!p0 s5, $0x0  }
0x1f: {  	s9 =	smul.u32 $0xF7A, s1;
	s8 =	simm.s32 @!p0 $0x1BF5;
	p2 =	por !p2, p0  }
0x20: {  	[sflag:s8] =	ssyncset.s32 @!p0 $0xFFFFF086;
	s6 =	sadd.s32 @!p0 s3, s7;
	s7 =	simm.s32 @!p0 $0x108  }
0x21: {  	s3 =	sadd.s32 s3, s9;
	s6 =	sadd.s32 @!p0 $0x88, s6;
	s7 =	simm.s32 @p2 $0x1082  }
0x22: {  	[simem:s7], [sflag:s8] =	dma.local @!p0 [hbm:s6], $0xF7A  }
0x23: {  	s9 =	sor.u32 $0xD0000000, s2;
	s6 =	simm.s32 $0x108;
	_ =	swait.ge @!p0 [sflag:s8], $0x0  }
0x24: {  	s3 =	sadd.s32 $0x88, s3;
	s6 =	simm.s32 @!p1 $0x1082;
	[sflag:s4] =	ssyncset.s32 $0xFFFFF086  }
0x25: {  	[simem:s6], [sflag:s4] =	dma.local [hbm:s3], $0xF7A  }
0x26: {  	[smem:$0x3F9D] =	sst s1;
	(tag) =	ssettag s2;
	_ =	strace s9  }
0x27: {  	s1 =	sld [smem:$0x3FAD]  }
0x28: {  	s2 =	sld [smem:$0x3FAE]  }
0x29: {  	s4 =	sld [smem:$0x3FB0]  }
0x2a: {  	p0 =	seq.s32 s5, $0x0;
	s5 =	sld [smem:$0x3FB1]  }
0x2b: {  	s6 =	sld [smem:$0x3FB2]  }
0x2c: {  	s7 =	sld [smem:$0x3FB3]  }
0x2d: {  	s3 =	simm.s32 $0x108;
	s8 =	sld [smem:$0x3FB4]  }
0x2e: {  	s3 =	simm.s32 @!p0 $0x1082;
	s9 =	sld [smem:$0x3FB5]  }
0x2f: {  	lr =	sadd.s32 s0, s3;
	s0 =	sld [smem:$0x3FAC]  }
0x30: {  	s3 =	sld [smem:$0x3FAF]  }
0x31: {  	[smem:$0x3FB8] =	sst s10  }
0x32: {  	s10 =	sld [smem:$0x3FB6];
	_ =	sdelay $0x3  }
0x33: {  	p0 =	seq.s32 s10, $0x1;
	s10 =	sld [smem:$0x3FB8];
	_ =	sdelay $0x3  }
0x34: {  	[smem:$0x3FB8] =	sst s10  }
0x35: {  	s10 =	sld [smem:$0x3FB7];
	_ =	sdelay $0x3  }
0x36: {  	p1 =	seq.s32 s10, $0x1;
	s10 =	sld [smem:$0x3FB8];
	_ =	sdelay $0x3  }
0x37: {  	[smem:$0x3FB8] =	sst s10  }
0x38: {  	s10 =	sld [smem:$0x3FB9]  }
0x39: {  	_ = 	snop;
	(pc) =	sbr.ind lr, $3  }
0x3a: {  	_ = 	snop  }
0x3b: {  	_ = 	snop  }
0x3c: {  	p2 =	seq.s32 s10, $0x1;
	s10 =	sld [smem:$0x3FB8]  }
0x3d: {  	_ =	shalt  }
0x3e: {  	_ =	shalt  }
0x3f: {  	_ =	shalt  }
0x40: {  	_ =	shalt  }
0x41: {  	_ =	shalt  }
0x42: {  	_ =	shalt  }
0x43: {  	_ =	shalt  }
0x44: {  	_ =	shalt  }
0x45: {  	_ =	shalt  }
0x46: {  	_ =	shalt  }
0x47: {  	_ =	shalt  }
0x48: {  	_ =	shalt  }
0x49: {  	_ =	shalt  }
0x4a: {  	_ =	shalt  }
0x4b: {  	_ =	shalt  }
0x4c: {  	_ =	shalt  }
0x4d: {  	_ =	shalt  }
0x4e: {  	_ =	shalt  }
0x4f: {  	_ =	shalt  }
0x50: {  	_ =	shalt  }
0x51: {  	_ =	shalt  }
0x52: {  	_ =	shalt  }
0x53: {  	_ =	shalt  }
0x54: {  	_ =	shalt  }
0x55: {  	_ =	shalt  }
0x56: {  	_ =	shalt  }
0x57: {  	_ =	shalt  }
0x58: {  	_ =	shalt  }
0x59: {  	_ =	shalt  }
0x5a: {  	_ =	shalt  }
0x5b: {  	_ =	shalt  }
0x5c: {  	_ =	shalt  }
0x5d: {  	_ =	shalt  }
0x5e: {  	_ =	shalt  }
0x5f: {  	_ =	shalt  }
0x60: {  	_ =	shalt  }
0x61: {  	_ =	shalt  }
0x62: {  	_ =	shalt  }
0x63: {  	_ =	shalt  }
0x64: {  	_ =	shalt  }
0x65: {  	_ =	shalt  }
0x66: {  	_ =	shalt  }
0x67: {  	_ =	shalt  }
0x68: {  	_ =	shalt  }
0x69: {  	_ =	shalt  }
0x6a: {  	_ =	shalt  }
0x6b: {  	_ =	shalt  }
0x6c: {  	_ =	shalt  }
0x6d: {  	_ =	shalt  }
0x6e: {  	_ =	shalt  }
0x6f: {  	_ =	shalt  }
0x70: {  	_ =	shalt  }
0x71: {  	_ =	shalt  }
0x72: {  	_ =	shalt  }
0x73: {  	_ =	shalt  }
0x74: {  	_ =	shalt  }
0x75: {  	_ =	shalt  }
0x76: {  	_ =	shalt  }
0x77: {  	_ =	shalt  }
0x78: {  	_ =	shalt  }
0x79: {  	_ =	shalt  }
0x7a: {  	_ =	shalt  }
0x7b: {  	_ =	shalt  }
0x7c: {  	_ =	shalt  }
0x7d: {  	_ =	shalt  }
0x7e: {  	_ =	shalt  }
0x7f: {  	_ =	shalt  }
0x80: {  	_ =	shalt  }
0x81: {  	_ =	shalt  }
0x82: {  	_ =	shalt  }
0x83: {  	_ =	shalt  }
0x84: {  	_ =	shalt  }
0x85: {  	_ =	shalt  }
0x86: {  	_ =	shalt  }
0x87: {  	_ =	shalt  }
.Lfunc_end0:
.L_simem_size_0:
called_computation_lowered:
.L_overlay_start_0:
0x88: {  	s2 =	sld [smem:$0x3FD9]  }
0x89: {  	s3 =	sld [smem:$0x3FFE];
	_ =	sdelay $0x1  }
0x8a: {  	s1 =	srdreg.scid  }
0x8b: {  	s0 =	sand.u32 $0x1, s1  }
0x8c: {  	s17 =	sshll.u32 s0, $0xA;
	s2 =	sadd.s32 s3, s2  }
0x8d: {  	s2 =	sadd.s32 s2, s17  }
0x8e: {  	[smem:$0x3FC4] =	sst s2  }
0x8f: {  	_ = 	snop  }
0x90: {  	s2 =	sld [smem:$0x3FD0];
	(tm) =	ssettm $0x1  }
0x91: {  	s18 =	sld [smem:$0x3FFB];
	_ =	sdelay $0x3  }
0x92: {  	_ =	strace s18  }
0x93: {  	s3 =	sld [smem:$0x3FFC];
	_ =	sdelay $0x3  }
0x94: {  	_ =	strace s3  }
0x95: {  	s3 =	sld [smem:$0x3FFD];
	_ =	sdelay $0x3  }
0x96: {  	_ =	strace s3  }
0x97: {  	_ =	strace $0x8FFFFFFF  }
0x98: {  	s19 =	sld [smem:$0x3FDB];
	_ =	sdelay $0x1  }
0x99: {  	s4 =	simm.s32 $_scs_section_size  }
0x9a: {  	s5 =	simm.s32 $_size__tile_overlayer_lowered;
	s6 =	simm.s32 $_tile_overlayer_lowered  }
0x9b: {  	s22 =	simm.s32 $0x1BFF;
	s21 =	sshll.u32 s6, $0x1;
	s3 =	sadd.s32 s4, s19  }
0x9c: {  	s7 =	simm.s32 $0x0;
	s20 =	sshll.u32 s5, $0x1;
	s5 =	sadd.s32 s21, s3  }
0x9d: {  	[timem:s7], [sflag:s22] =	dma.local [hbm:s5], s20  }
0x9e: {  	_ =	swait.ge [sflag:s22], s20  }
0x9f: {  	s4 =	ssub.s32 $0x0, s20;
	[sflag:s22] =	ssyncset.done $0x0  }
0xa0: {  	[sflag:s22] =	ssyncadd.s32 s4;
	_ =	sdelay $0x1  }
0xa1: {  	s23 =	simm.s32 $0x1B8B  }
0xa2: {  	_ =	swait.ge [sflag:s23], $0x1  }
0xa3: {  	[sflag:s23] =	ssyncset.done $0x0  }
0xa4: {  	s25 =	simm.s32 $0x1B8E;
	s24 =	sld [smem:$0x3FFE];
	[sflag:s23] =	ssyncadd.s32 $0xFFFFFFFF  }
0xa5: {  	s26 =	simm.s32 $execute0_lowered;
	[smem:$0x3FD2] =	sst s25  }
0xa6: {  	s5 =	sshll.u32 s26, $0x1;
	_ =	strace $0x80000046;
	[dreg:$0x1] =	wrdreg $0xFFFFFFFF  }
0xa7: {  	s28 =	simm.s32 $_size_execute0_lowered;
	s3 =	sadd.s32 s3, s5;
	[dreg:$0x0] =	wrdreg $0x0  }
0xa8: {  	s5 =	sshll.u32 s28, $0x1;
	[dreg:$0x2] =	wrdreg s3  }
0xa9: {  	[dreg:$0x3] =	wrdreg s5  }
0xaa: {  	[dreg:$0x4] =	wrdreg $0xC0  }
0xab: {  	_ =	task [dreg:s7], $0x5FFFF  }
0xac: {  	[dreg:$0x1] =	wrdreg $0xFFFFFFFF  }
0xad: {  	[dreg:$0x0] =	wrdreg $0x60  }
0xae: {  	[dreg:$0x2] =	wrdreg s2  }
0xaf: {  	[dreg:$0x3] =	wrdreg s24  }
0xb0: {  	[dreg:$0x4] =	wrdreg $0x0  }
0xb1: {  	[dreg:$0x5] =	wrdreg $0x9  }
0xb2: {  	_ =	task.clear_ibuf [dreg:s7], $0x6FFFF;
	_ =	strace $0x90000046  }
0xb3: {  	s29 =	simm.s32 $0x9;
	_ =	strace $0x80000048  }
0xb4: {  	_ =	swait.ge [sflag:s29], $0x1  }
0xb5: {  	[sflag:s29] =	ssyncadd.s32 $0xFFFFFFFF  }
0xb6: {  	_ =	strace $0x90000048  }
0xb7: {  	_ =	sfence  }
0xb8: {  	s30 =	sld [smem:$0x0];
	_ =	sdelay $0x2  }
0xb9: {  	s31 =	sshll.u32 s1, $0xD;
	s1 =	sshrl.u32 s1, $0x2  }
0xba: {  	s3 =	sand.u32 $0x4000, s31;
	s1 =	sadd.s32 s1, s30  }
0xbb: {  	s0 =	sor.u32 s3, s0;
	s1 =	sshll.u32 s1, $0x11  }
0xbc: {  	s0 =	sor.u32 s1, s0  }
0xbd: {  	s0 =	sadd.s32 $0x8F2B, s0  }
0xbe: {  	[sflag:s0] =	ssyncadd.remote.s32 $0x1  }
0xbf: {  	_ =	sfence.sel $0xFFFF  }
0xc0: {  	[dreg:$0x0] =	wrdreg $0xFFFFFFFF;
	(pc) =	sbr.abs _section_cstart, $3  }
0xc1: {  	[dreg:$0x1] =	wrdreg $0xFFFFFFFF  }
0xc2: {  	_ =	task.clear_ibuf [dreg:s7], $0x2FFFF;
	_ =	strace $0x9FFFFFFF  }
0xc3: {  	(tm) =	ssettm $0x7FFFFFFF  }
tec
execute0_lowered:
.L_overlay_start_1:
0x0: {  	(tag) =	ssettag $0x1  }
0x1: {  	s0 =	rddreg [dreg:$0x0]  }
0x2: {  	s5 =	rddreg [dreg:$0x1]  }
0x3: {  	s1 =	rddreg [dreg:$0x2];
	s2 =	srdreg.scid  }
0x4: {  	s3 =	simm.s32 $0x0;
	s19 =	stileid.u32;
	s18 =	simm.s32 $0x14800  }
0x5: {  	s22 =	sand.u32 $0x1, s2;
	[smem:$0x7FF] =	sst s3;
	s7 =	smul.u32 $0x14000, s19  }
0x6: {  	s13 =	sadd.s32 $0x5A00, s5;
	s11 =	sadd.s32 $0xA00, s5;
	s21 =	smul.u32 $0x50000, s19  }
0x7: {  	s9 =	sshll.u32 s19, $0x7;
	s12 =	smul.u32 $0x2800, s19;
	s26 =	sshll.u32 s19, $0x6  }
0x8: {  	s17 =	smul.u32 $0x500, s19;
	s4 =	sshll.u32 s22, $0x4;
	_ =	strace $0x80000047  }
0x9: {  	s6 =	smul.u32 $0x140000, s22;
	s20 =	sand.u32 $0x380, s9;
	s24 =	ssub.s32 $0x2, s22  }
0xa: {  	s29 =	smul.u32 $0x27100, s22;
	p0 =	seq.s32 s22, $0x1;
	p1 =	seq.s32 s22, $0x0  }
0xb: {  	s22 =	simm.s32 $0x80;
	s4 =	sor.u32 s19, s4;
	s25 =	sshrl.u32 s24, $0x1  }
0xc: {  	s28 =	sshrl.u32 s12, $0x3;
	s30 =	sadd.s32 s17, s11;
	s31 =	sadd.s32 s17, s13  }
0xd: {  	s17 =	simm.s32 $0x3;
	s19 =	simm.s32 $0x4;
	s4 =	sshrl.u32 s4, $0x3  }
0xe: {  	s6 =	sadd.s32 s7, s6;
	s15 =	ssub.s32 s24, s25;
	s12 =	sadd.s32 $0x80, s30  }
0xf: {  	s24 =	simm.s32 $0x2;
	s8 =	smul.u32 $0x13C00, s4;
	s6 =	sshrl.u32 s6, $0x3  }
0x10: {  	s4 =	sadd.s32 $0xAA00, s5;
	s10 =	sadd.s32 s6, s5;
	s6 =	sadd.s32 s13, s28  }
0x11: {  	s13 =	sadd.s32 $0x80, s31;
	s7 =	sor.u32 s20, s8;
	s8 =	sshrl.u32 s21, $0x2  }
.Ltmp0:
0x12: {  	s10 =	sadd.s32 $0x17000, s10;
	s21 =	simm.s32 $0x1;
	(pc) =	sbr.rel .LBB2_1-.Ltmp0, $4  }
0x13: {  	s23 =	sshrl.u32 s7, $0x3;
	s16 =	sadd.s32 s8, s1;
	s7 =	sadd.s32 s11, s28  }
0x14: {  	s8 =	sadd.s32 s0, s29;
	s11 =	smax.u32 s15, $0x1;
	s15 =	simm.s32 $0x5  }
0x15: {  	s14 =	sadd.s32 s23, s5;
	s5 =	sor.u32 $0x1C05, s26;
	s23 =	simm.s32 $0x1D000  }
0x16: {  	v0 =	vimm.f32 $0.0e+00;
	v1 =	vimm.f32 $1.000000000e+00;
	s26 =	simm.s32 $0x0;
	s9 =	sadd.s32 $0xD200, s14;
	s14 =	sshrl.u32 s16, $0x3  }
.LBB2_8:
0x17: {  	s0 =	simm.s32 $0x400  }
0x18: {  	[hbm4b:s9+s22] =	stream.strided.scatter [tilespmem:s23], [sflag:$0x5], $0x2780, s0, s22, $0x38;
	[tilespmem:$0x1F780] =	vst v63  }
0x19: {  	_ =	swait.ge [sflag:s15], $0x2780  }
0x1a: {  	s26 =	sadd.s32 $0x1, s26;
	[sflag:s15] =	ssyncset.done $0x0  }
0x1b: {  	p2 =	sne.s32 s26, s11;
	[sflag:s15] =	ssyncadd.s32 $0xFFFFD880  }
.Ltmp1:
0x1c: {  	[bflag:$0x0] =	sbarrier.arrive $0xFFFF;
	(pc) =	sbr.rel @!p2 .LBB2_9-.Ltmp1, $4  }
0x1d: {  	[hbm:s10], [sflag:s5] =	dma.local [spmem:s14], $0x2800  }
0x1e: {  	_ =	swait.ge [sflag:s15], $0x2800  }
0x1f: {  	[sflag:s15] =	ssyncset.done $0x0  }
0x20: {  	[sflag:s15] =	ssyncadd.s32 $0xFFFFD800  }
.LBB2_1:
0x21: {  	[spmem:s14], [sflag:s5] =	dma.local [hbm:s4], $0x2800  }
0x22: {  	_ =	swait.ge [sflag:s15], $0x2800  }
0x23: {  	[sflag:s15] =	ssyncset.done $0x0  }
0x24: {  	s0 =	simm.s32 $0x40;
	s28 =	simm.s32 $0x0;
	[sflag:s15] =	ssyncadd.s32 $0xFFFFD800  }
.LBB2_2:
0x25: {  	p2 =	sne.s32 s0, $0x9C40;
	[tilespmem:s28+$0x1D000] =	vst v0;
	s28 =	smov.u32 s0;
	s0 =	sadd.s32 $0x40, s0  }
.Ltmp2:
0x26: {  	(pc) =	sbr.rel @p2 .LBB2_2-.Ltmp2, $2  }
0x27: {  	_ =	sdelay $0x2  }
0x28: {  	s28 =	sshra.s32 s28, $0x2  }
0x29: {  	[tilespmem:s28+$0x1D000] =	vst v0;
	s28 =	simm.s32 $0x0;
	s0 =	simm.s32 $0x14000  }
0x2a: {  	[tilespmem:s0], [sflag:$0x3] =	stream.linear.gather [hbm4b:s6+s28], $0x400, $0x38;
	[tilespmem:$0x1F780] =	vst v63  }
0x2b: {  	_ =	swait.ge [sflag:s17], $0x400  }
0x2c: {  	[sflag:s17] =	ssyncset.done $0x0  }
0x2d: {  	[sflag:s17] =	ssyncadd.s32 $0xFFFFFC00  }
0x2e: {  	[tilespmem:s18], [sflag:$0x4] =	stream.linear.gather [hbm4b:s7+s28], $0x400, $0x38;
	[tilespmem:$0x1F780] =	vst v63  }
.Ltmp3:
0x2f: {  	_ =	swait.ge [sflag:s19], $0x400;
	(pc) =	sbr.rel .LBB2_4-.Ltmp3, $4  }
0x30: {  	[sflag:s19] =	ssyncset.done $0x0  }
0x31: {  	s29 =	simm.s32 $0x80;
	[sflag:s19] =	ssyncadd.s32 $0xFFFFFC00  }
0x32: {  	s31 =	simm.s32 $0x15000;
	s30 =	simm.s32 $0x0;
	[bflag:$0x0] =	sbarrier.arrive $0xFFFF  }
0x33: {  	[tilespmem:s31], [sflag:$0x1] =	stream.indirect.gather [hbm4b:s8+s29], $0x80, s18, s29, $0xb8;
	[tilespmem:$0x1F780] =	vst v63  }
.LBB2_6:
0x34: {  	p3 =	seq.s32 s28, $0x4F0  }
0x35: {  	p4 =	sne.s32 @!p3 s31, $0x7  }
0x36: {  	p5 =	por p4, p3  }
0x37: {  	s2 =	simm.s32 @!p5 $0x3  }
0x38: {  	_ =	swait.ge @!p5 [sflag:s2], $0x400  }
0x39: {  	[sflag:s2] =	ssyncset.done @!p5 $0x0  }
0x3a: {  	p2 =	sne.s32 s28, $0x4F0;
	[sflag:s2] =	ssyncadd.s32 @!p5 $0xFFFFFC00;
	s2 =	simm.s32 @!p5 $0x4  }
0x3b: {  	p4 =	por !p4, p3;
	p6 =	por @!p5 $0x1, $0x1;
	_ =	swait.ge @!p5 [sflag:s2], $0x400  }
0x3c: {  	p6 =	por @!p4 p2, p2;
	[sflag:s2] =	ssyncset.done @!p5 $0x0  }
0x3d: {  	p2 =	por @!p3 p6, p6;
	[sflag:s2] =	ssyncadd.s32 @!p5 $0xFFFFFC00  }
.LBB2_7:
0x3e: {  	s2 =	sand.u32 $0x1, s30;
	_ =	swait.ge [sflag:s21], $0x4000;
	s20 =	sand.u32 @p2 $0x780, s29  }
0x3f: {  	s25 =	simm.s32 @p2 $0x80;
	s31 =	sshll.u32 s31, $0x7;
	p6 =	slt.u32 s30, $0x28  }
0x40: {  	p3 =	sgt.u32 s30, $0x27;
	[sflag:s21] =	ssyncset.done $0x0;
	s16 =	sshll.u32 @p2 s2, $0xE  }
0x41: {  	s20 =	sor.u32 @p2 $0x14800, s20;
	s2 =	sshll.u32 s2, $0xE;
	s16 =	sxor.u32 @p2 $0x4000, s16  }
0x42: {  	s0 =	sor.u32 s31, s0;
	[sflag:s21] =	ssyncadd.s32 $0xFFFFC000;
	s16 =	sadd.s32 @p2 $0x15000, s16  }
0x43: {  	[tilespmem:s16], [sflag:$0x1] =	stream.indirect.gather @p2 [hbm4b:s8+s25], $0x80, s20, s25, $0xb8;
	[tilespmem:$0x1F780] =	vst v63  }
0x44: {  	p3 =	por !p3, !p0;
	s2 =	sadd.s32 $0x15000, s2;
	p2 =	por !p1, !p6  }
0x45: {  	s0 =	sor.u32 $0x14000, s0;
	p3 =	por !p3, !p3;
	p2 =	por !p2, !p2  }
0x46: {  	[spmem:s1] =	stream.indirect.scatter.add.f32 [tilespmem:s2], [sflag:$0x2], $0x80, s0, s22, $0xb8;
	[tilespmem:$0x1F780] =	vst v63  }
0x47: {  	p2 =	por p2, p3  }
0x48: {  	v2 =	vld @p2 [tilespmem:s0+$0x0];
	_ =	sdelay $0x7  }
0x49: {  	[tilespmem:v2+s23+$0x0] =	vst.idx.add.f32.msk @p2 $0xffff, v1  }
0x4a: {  	v2 =	vld @p2 [tilespmem:s0+$0x10];
	_ =	sdelay $0x7  }
0x4b: {  	[tilespmem:v2+s23+$0x0] =	vst.idx.add.f32.msk @p2 $0xffff, v1  }
0x4c: {  	v2 =	vld @p2 [tilespmem:s0+$0x20];
	_ =	sdelay $0x7  }
0x4d: {  	[tilespmem:v2+s23+$0x0] =	vst.idx.add.f32.msk @p2 $0xffff, v1  }
0x4e: {  	v2 =	vld @p2 [tilespmem:s0+$0x30];
	_ =	sdelay $0x7  }
0x4f: {  	[tilespmem:v2+s23+$0x0] =	vst.idx.add.f32.msk @p2 $0xffff, v1  }
0x50: {  	v2 =	vld @p2 [tilespmem:s0+$0x40];
	_ =	sdelay $0x7  }
0x51: {  	[tilespmem:v2+s23+$0x0] =	vst.idx.add.f32.msk @p2 $0xffff, v1  }
0x52: {  	v2 =	vld @p2 [tilespmem:s0+$0x50];
	_ =	sdelay $0x7  }
0x53: {  	[tilespmem:v2+s23+$0x0] =	vst.idx.add.f32.msk @p2 $0xffff, v1  }
0x54: {  	v2 =	vld @p2 [tilespmem:s0+$0x60];
	_ =	sdelay $0x7  }
0x55: {  	[tilespmem:v2+s23+$0x0] =	vst.idx.add.f32.msk @p2 $0xffff, v1  }
0x56: {  	v2 =	vld @p2 [tilespmem:s0+$0x70];
	_ =	sdelay $0x6  }
0x57: {  	s28 =	sadd.s32 $0x10, s28  }
0x58: {  	[tilespmem:v2+s23+$0x0] =	vst.idx.add.f32.msk @p2 $0xffff, v1;
	p2 =	sne.s32 s28, $0x500  }
.Ltmp4:
0x59: {  	_ = 	snop;
	(pc) =	sbr.rel @!p2 .LBB2_8-.Ltmp4, $4  }
0x5a: {  	_ = 	snop  }
0x5b: {  	_ =	swait.ge [sflag:s24], $0x4000  }
0x5c: {  	[sflag:s24] =	ssyncset.done $0x0  }
0x5d: {  	s29 =	sadd.s32 $0x80, s29;
	s30 =	sadd.s32 $0x1, s30;
	[sflag:s24] =	ssyncadd.s32 $0xFFFFC000  }
.LBB2_4:
0x5e: {  	s31 =	sand.u32 $0x7, s30;
	p2 =	sgt.u32 s30, $0x47  }
0x5f: {  	p3 =	sne.s32 @!p2 s31, $0x0  }
0x60: {  	p2 =	por p2, p3  }
.Ltmp5:
0x61: {  	_ = 	snop;
	(pc) =	sbr.rel @p2 .LBB2_6-.Ltmp5, $4  }
0x62: {  	_ = 	snop  }
0x63: {  	s0 =	sshrl.u32 s30, $0x3  }
0x64: {  	s0 =	sand.u32 $0x1, s0  }
0x65: {  	s0 =	sshll.u32 s0, $0xA  }
.Ltmp6:
0x66: {  	s2 =	sxor.u32 $0x400, s0;
	(pc) =	sbr.rel .LBB2_7-.Ltmp6, $4  }
0x67: {  	s20 =	sadd.s32 s28, s13;
	s16 =	sor.u32 $0x14000, s2  }
0x68: {  	[tilespmem:s16], [sflag:$0x3] =	stream.linear.gather [hbm4b:s20+s3], $0x400, $0x38;
	[tilespmem:$0x1F780] =	vst v63  }
0x69: {  	s25 =	sadd.s32 s28, s12;
	p2 =	por $0x1, $0x1;
	s2 =	sor.u32 $0x14800, s2  }
0x6a: {  	[tilespmem:s2], [sflag:$0x4] =	stream.linear.gather [hbm4b:s25+s3], $0x400, $0x38;
	[tilespmem:$0x1F780] =	vst v63  }
.LBB2_9:
0x6b: {  	_ =	sfence.sel $0x180000  }
0x6c: {  	[bflag:$0x0] =	sbarrier.arrive $0xFFFF  }
0x6d: {  	_ =	strace $0x90000047  }
0x6e: {  	s0 =	stileid.u32;
	[bflag:$0x2] =	sbarrier.arrive $0xFFFF  }
0x6f: {  	p0 =	sne.s32 s0, $0x0;
	s0 =	rddreg [dreg:$0x3]  }
0x70: {  	s0 =	sadd.s32 @!p0 $0x100000, s0  }
0x71: {  	[sflag:s0] =	ssyncadd.tile.s32 @!p0 $0x1;
	_ =	shalt  }
.Lfunc_end2:
_tile_overlayer_lowered:
.L_overlay_start_2:
0x72: {  	(tag) =	ssettag $0x2  }
0x73: {  	s0 =	rddreg [dreg:$0x0];
	s2 =	stileid.u32  }
0x74: {  	s1 =	rddreg [dreg:$0x1];
	p0 =	sne.s32 s2, $0x0  }
0x75: {  	s3 =	rddreg [dreg:$0x2];
	[bflag:$0x3] =	sbarrier.arrive $0xFFFF;
	s2 =	simm.s32 @!p0 $0x1C05  }
0x76: {  	[timem:s3], [sflag:s2] =	dma.local @!p0 [hbm:s0], s1  }
0x77: {  	s0 =	simm.s32 @!p0 $0x5  }
0x78: {  	_ =	swait.ge @!p0 [sflag:s0], s1  }
0x79: {  	s1 =	ssub.s32 @!p0 $0x0, s1;
	[sflag:s0] =	ssyncset.done @!p0 $0x0  }
0x7a: {  	[sflag:s0] =	ssyncadd.s32 @!p0 s1  }
0x7b: {  	[bflag:$0x3] =	sbarrier.arrive $0xFFFF  }
0x7c: {  	_ =	shalt  }

</sc_bundles>
